<compile_context>
chip_gen: v7x
topology: tpu7x:2x2x1
jax: 0.10.2.dev20260603
libtpu: 0.0.44.dev20260713+nightly
codegen_flags: <defaults>
</compile_context>

<pallas_src>
import functools

import jax
import jax.numpy as jnp
from jax import lax
from jax.experimental import pallas as pl
from jax.experimental.pallas import tpu as pltpu
from jax.experimental.pallas import tpu_sc as plsc

N = 10000
E = 320000
D = 128

NC = 2
NS = 16
NW = NC * NS

CHUNK = 128
TCHUNKS = E // CHUNK
BASE_CNT = TCHUNKS // NW
EXTRA = TCHUNKS - BASE_CNT * NW

NBUF = 3

ACC_ROWS = 10112
ZROWS = 632



def _sc_body(sup_hbm, ei_hbm, out_hbm, acc, rows, idxb, gsem, gsem2, ssem,
             isem, zsem):
    cid = lax.axis_index("c")
    sid = lax.axis_index("s")
    wid = cid * NS + sid
    tid = sid
    start = wid * BASE_CNT + jnp.minimum(wid, 2) + jnp.clip(wid - NS, 0, 2)

    def _start_idx(c, b):
        pltpu.async_copy(
            ei_hbm.at[:, pl.ds((start + c) * CHUNK, CHUNK)], idxb[b], isem[b])

    def _wait_idx(c, b):
        pltpu.make_async_copy(
            ei_hbm.at[:, pl.ds((start + c) * CHUNK, CHUNK)], idxb[b],
            isem[b]).wait()

    def _gather_start(b):
        pltpu.async_copy(sup_hbm.at[idxb[b].at[0]], rows[b], gsem[b])

    def _gather_wait(b):
        pltpu.make_async_copy(sup_hbm.at[idxb[b].at[0]], rows[b],
                              gsem[b]).wait()

    def _scatter_start(b):
        pltpu.async_copy(rows[b], acc.at[idxb[b].at[1]], ssem[b], add=True)

    def _scatter_wait(b):
        pltpu.make_async_copy(rows[b], acc.at[idxb[b].at[1]], ssem[b]).wait()

    def _zrow(r, carry):
        for j in range(8):
            rows[0][r, pl.ds(j * 16, 16)] = jnp.zeros((16,), jnp.float32)
        return carry

    lax.fori_loop(0, CHUNK, _zrow, 0)

    _start_idx(0, 0)
    _start_idx(1, 1)

    z0 = tid * ZROWS
    for j in range(4):
        pltpu.async_copy(rows[0], acc.at[pl.ds(z0 + j * 128, 128)], zsem)
    pltpu.async_copy(
        rows[0].at[pl.ds(0, ZROWS - 512)],
        acc.at[pl.ds(z0 + 512, ZROWS - 512)], zsem)
    for j in range(4):
        pltpu.make_async_copy(
            rows[0], acc.at[pl.ds(z0 + j * 128, 128)], zsem).wait()
    pltpu.make_async_copy(
        rows[0].at[pl.ds(0, ZROWS - 512)],
        acc.at[pl.ds(z0 + 512, ZROWS - 512)], zsem).wait()
    plsc.subcore_barrier()

    _wait_idx(0, 0)
    _gather_start(0)

    def _slot(c, b):
        bm1 = (b + 2) % NBUF
        bp1 = (b + 1) % NBUF

        @pl.when(c >= 1)
        def _():
            _scatter_wait(bm1)

        @pl.when(c <= BASE_CNT - 2)
        def _():
            _wait_idx(c + 1, bp1)
            _gather_start(bp1)

        _gather_wait(b)
        _scatter_start(b)

        @pl.when(c <= BASE_CNT - 3)
        def _():
            _start_idx(c + 2, bm1)

    def _outer(i, carry):
        c0 = NBUF * i
        for b in range(NBUF):
            _slot(c0 + b, b)
        return carry

    lax.fori_loop(0, BASE_CNT // NBUF, _outer, 0)
    _scatter_wait((BASE_CNT - 1) % NBUF)

    @pl.when(sid < 2)
    def _():
        off = (start + BASE_CNT) * CHUNK
        pltpu.sync_copy(ei_hbm.at[:, pl.ds(off, CHUNK)], idxb[0])
        _gather_start(0)
        _gather_wait(0)
        pltpu.sync_copy(rows[0], acc.at[idxb[0].at[1]], add=True)

    plsc.subcore_barrier()

    pltpu.sync_copy(acc.at[pl.ds(z0, ZROWS)], out_hbm.at[cid, pl.ds(z0, ZROWS)])


@functools.cache
def _sc_aggregate():
    return pl.kernel(
        _sc_body,
        out_type=jax.ShapeDtypeStruct((NC, ACC_ROWS, D), jnp.float32),
        mesh=plsc.VectorSubcoreMesh(
            core_axis_name="c", subcore_axis_name="s",
            num_cores=NC, num_subcores=NS,
        ),
        scratch_types=[
            pltpu.VMEM_SHARED((ACC_ROWS, D), jnp.float32),
            [pltpu.VMEM((CHUNK, D), jnp.float32) for _ in range(NBUF)],
            [pltpu.VMEM((2, CHUNK), jnp.int32) for _ in range(NBUF)],
            [pltpu.SemaphoreType.DMA for _ in range(NBUF)],
            [pltpu.SemaphoreType.DMA for _ in range(NBUF)],
            [pltpu.SemaphoreType.DMA for _ in range(NBUF)],
            [pltpu.SemaphoreType.DMA for _ in range(NBUF)],
            pltpu.SemaphoreType.DMA,
        ],
    )



def _finish_body(p_ref, w_ref, b_ref, o_ref):
    agg = p_ref[0] + p_ref[1]
    s = lax.dot_general(
        agg, w_ref[...],
        dimension_numbers=(((1,), (1,)), ((), ())),
        preferred_element_type=jnp.float32,
    ) + b_ref[...]
    o_ref[...] = jnp.where(s >= 0, s, 0.2 * s)


def _finish(partials, W, b2):
    grid = 1
    rows = N // grid
    return pl.pallas_call(
        _finish_body,
        grid=(grid,),
        in_specs=[
            pl.BlockSpec((NC, rows, D), lambda i: (0, i, 0)),
            pl.BlockSpec((D, D), lambda i: (0, 0)),
            pl.BlockSpec((1, D), lambda i: (0, 0)),
        ],
        out_specs=pl.BlockSpec((rows, D), lambda i: (i, 0)),
        out_shape=jax.ShapeDtypeStruct((N, D), jnp.float32),
    )(partials, W, b2)


def kernel(x, edge_index, W, b):
    partials = _sc_aggregate()(x, edge_index)
    return _finish(partials, W, b.reshape(1, D))

# --- scband reference (transcript-rebuilt; emitter-appended) ---
"""Pipeline reference for scband-gcnlayer-20547123544254 (READ-ONLY COPY).

The authoritative reference and input builder live on the scoring server;
editing this copy changes nothing except your own understanding.
"""

import jax, jax.numpy as jnp
import numpy as np

N = 10000
E = 320000
D_IN = 128
D_OUT = 128


def setup_inputs(seed: int = 0) -> dict:
    key = jax.random.key(seed)
    k1, k2, k3 = jax.random.split(key, 3)
    x = jax.random.normal(k1, (N, D_IN), dtype=jnp.float32)
    edge_index = jax.random.randint(k2, (2, E), 0, N, dtype=jnp.int32)
    # xavier_uniform for linear weight (out_features, in_features)
    limit = float(np.sqrt(6.0 / (D_IN + D_OUT)))
    W = jax.random.uniform(k3, (D_OUT, D_IN), dtype=jnp.float32, minval=-limit, maxval=limit)
    b = jnp.zeros((D_OUT,), dtype=jnp.float32)
    return {"x": x, "edge_index": edge_index, "W": W, "b": b}


def reference(x, edge_index, W, b):
    # support = self.linear(x)
    support = x @ W.T + b
    # output = torch.spmm(adj, support)
    # adj is an unweighted sparse adjacency: adj[dst, src] = 1 for each edge,
    # so (adj @ support)[dst] = sum over src neighbors of support[src]
    src = edge_index[0]
    dst = edge_index[1]
    gathered = jnp.take(support, src, axis=0)
    output = jax.ops.segment_sum(gathered, dst, num_segments=N)
    # F.leaky_relu(output, negative_slope=0.2)
    return jax.nn.leaky_relu(output, negative_slope=0.2)

if __name__ == "__main__":
    import jax
    _d = setup_inputs()
    print(jax.jit(kernel)(*tuple(_d.values())))

</pallas_src>

<mosaic_0001>
#map = affine_map<(d0, d1) -> (0, 0)>
#map1 = affine_map<(d0, d1) -> (0, 0, 0)>
module attributes {stable_mosaic.version = 14 : i64} {
  func.func @_sc_body(%arg0: i32, %arg1: i32, %arg2: memref<10000x128xf32, #tpu.memory_space<hbm>>, %arg3: memref<2x320000xi32, #tpu.memory_space<hbm>>, %arg4: memref<2x10112x128xf32, #tpu.memory_space<hbm>>, %arg5: memref<10112x128xf32, #tpu.memory_space<vmem_shared>>, %arg6: memref<128x128xf32, #tpu.memory_space<vmem>>, %arg7: memref<128x128xf32, #tpu.memory_space<vmem>>, %arg8: memref<128x128xf32, #tpu.memory_space<vmem>>, %arg9: memref<2x128xi32, #tpu.memory_space<vmem>>, %arg10: memref<2x128xi32, #tpu.memory_space<vmem>>, %arg11: memref<2x128xi32, #tpu.memory_space<vmem>>, %arg12: memref<!tpu.dma_semaphore, #tpu.memory_space<semaphore_mem>>, %arg13: memref<!tpu.dma_semaphore, #tpu.memory_space<semaphore_mem>>, %arg14: memref<!tpu.dma_semaphore, #tpu.memory_space<semaphore_mem>>, %arg15: memref<!tpu.dma_semaphore, #tpu.memory_space<semaphore_mem>>, %arg16: memref<!tpu.dma_semaphore, #tpu.memory_space<semaphore_mem>>, %arg17: memref<!tpu.dma_semaphore, #tpu.memory_space<semaphore_mem>>, %arg18: memref<!tpu.dma_semaphore, #tpu.memory_space<semaphore_mem>>, %arg19: memref<!tpu.dma_semaphore, #tpu.memory_space<semaphore_mem>>, %arg20: memref<!tpu.dma_semaphore, #tpu.memory_space<semaphore_mem>>, %arg21: memref<!tpu.dma_semaphore, #tpu.memory_space<semaphore_mem>>, %arg22: memref<!tpu.dma_semaphore, #tpu.memory_space<semaphore_mem>>, %arg23: memref<!tpu.dma_semaphore, #tpu.memory_space<semaphore_mem>>, %arg24: memref<!tpu.dma_semaphore, #tpu.memory_space<semaphore_mem>>) attributes {dimension_semantics = [#tpu.dimension_semantics<core_parallel>, #tpu.dimension_semantics<subcore_parallel>], iteration_bounds = array<i64: 2, 16>, scalar_prefetch = 0 : i64, scratch_operands = 20 : i64, tpu.core_type = #tpu.core_type<sc_vector_subcore>, window_params = [{transform_indices = #map}, {transform_indices = #map}, {transform_indices = #map1}]} {
    %mul3A = arith.constant 16 : i32
    %mul3A_0 = arith.muli %arg0, %mul3A : i32
    %add3A = arith.addi %mul3A_0, %arg1 : i32
    %mul3A_1 = arith.constant 78 : i32
    %mul3A_2 = arith.muli %add3A, %mul3A_1 : i32
    %min3A = arith.constant 2 : i32
    %min3A_3 = arith.minsi %add3A, %min3A : i32
    %add3A_4 = arith.addi %mul3A_2, %min3A_3 : i32
    %sub3A = arith.constant 16 : i32
    %sub3A_5 = arith.subi %add3A, %sub3A : i32
    %jit3A = arith.constant 0 : i32
    %jit3A_6 = arith.constant 2 : i32
    %max3A = arith.maxsi %jit3A, %sub3A_5 : i32
    %min3A_7 = arith.minsi %jit3A_6, %max3A : i32
    %add3A_8 = arith.addi %add3A_4, %min3A_7 : i32
    %scan3A = arith.constant 0 : i32
    %scan3A_9 = arith.constant 0 : i32
    %scan3A_10 = arith.constant 128 : i32
    %scan3A_11 = arith.addi %scan3A_9, %scan3A_10 : i32
    %scan3A_12 = arith.constant 1 : i32
    scf.for %scan3A_133 = %scan3A_9 to %scan3A_11 step %scan3A_12  : i32 {
      %broadcast_in_dim3A = arith.constant 0.000000e+00 : f32
      %broadcast_in_dim3A_134 = vector.broadcast %broadcast_in_dim3A : f32 to vector<16xf32>
      %swap3A = arith.index_cast %scan3A_133 : i32 to index
      %swap3A_135 = arith.constant 0 : index
      %swap3A_136 = tpu.vector_load %arg6[%swap3A, %swap3A_135] {strides = array<i32>} : memref<128x128xf32, #tpu.memory_space<vmem>>, vector<1x16xf32>,
      %swap3A_137 = vector.shape_cast %swap3A_136 : vector<1x16xf32> to vector<16xf32>
      %swap3A_138 = vector.shape_cast %broadcast_in_dim3A_134 : vector<16xf32> to vector<1x16xf32>
      tpu.vector_store %arg6[%swap3A, %swap3A_135], %swap3A_138 {strides = array<i32>} : memref<128x128xf32, #tpu.memory_space<vmem>>, vector<1x16xf32>,
      %broadcast_in_dim3A_139 = arith.constant 0.000000e+00 : f32
      %broadcast_in_dim3A_140 = vector.broadcast %broadcast_in_dim3A_139 : f32 to vector<16xf32>
      %swap3A_141 = arith.index_cast %scan3A_133 : i32 to index
      %swap3A_142 = arith.constant 16 : index
      %swap3A_143 = tpu.vector_load %arg6[%swap3A_141, %swap3A_142] {strides = array<i32>} : memref<128x128xf32, #tpu.memory_space<vmem>>, vector<1x16xf32>,
      %swap3A_144 = vector.shape_cast %swap3A_143 : vector<1x16xf32> to vector<16xf32>
      %swap3A_145 = vector.shape_cast %broadcast_in_dim3A_140 : vector<16xf32> to vector<1x16xf32>
      tpu.vector_store %arg6[%swap3A_141, %swap3A_142], %swap3A_145 {strides = array<i32>} : memref<128x128xf32, #tpu.memory_space<vmem>>, vector<1x16xf32>,
      %broadcast_in_dim3A_146 = arith.constant 0.000000e+00 : f32
      %broadcast_in_dim3A_147 = vector.broadcast %broadcast_in_dim3A_146 : f32 to vector<16xf32>
      %swap3A_148 = arith.index_cast %scan3A_133 : i32 to index
      %swap3A_149 = arith.constant 32 : index
      %swap3A_150 = tpu.vector_load %arg6[%swap3A_148, %swap3A_149] {strides = array<i32>} : memref<128x128xf32, #tpu.memory_space<vmem>>, vector<1x16xf32>,
      %swap3A_151 = vector.shape_cast %swap3A_150 : vector<1x16xf32> to vector<16xf32>
      %swap3A_152 = vector.shape_cast %broadcast_in_dim3A_147 : vector<16xf32> to vector<1x16xf32>
      tpu.vector_store %arg6[%swap3A_148, %swap3A_149], %swap3A_152 {strides = array<i32>} : memref<128x128xf32, #tpu.memory_space<vmem>>, vector<1x16xf32>,
      %broadcast_in_dim3A_153 = arith.constant 0.000000e+00 : f32
      %broadcast_in_dim3A_154 = vector.broadcast %broadcast_in_dim3A_153 : f32 to vector<16xf32>
      %swap3A_155 = arith.index_cast %scan3A_133 : i32 to index
      %swap3A_156 = arith.constant 48 : index
      %swap3A_157 = tpu.vector_load %arg6[%swap3A_155, %swap3A_156] {strides = array<i32>} : memref<128x128xf32, #tpu.memory_space<vmem>>, vector<1x16xf32>,
      %swap3A_158 = vector.shape_cast %swap3A_157 : vector<1x16xf32> to vector<16xf32>
      %swap3A_159 = vector.shape_cast %broadcast_in_dim3A_154 : vector<16xf32> to vector<1x16xf32>
      tpu.vector_store %arg6[%swap3A_155, %swap3A_156], %swap3A_159 {strides = array<i32>} : memref<128x128xf32, #tpu.memory_space<vmem>>, vector<1x16xf32>,
      %broadcast_in_dim3A_160 = arith.constant 0.000000e+00 : f32
      %broadcast_in_dim3A_161 = vector.broadcast %broadcast_in_dim3A_160 : f32 to vector<16xf32>
      %swap3A_162 = arith.index_cast %scan3A_133 : i32 to index
      %swap3A_163 = arith.constant 64 : index
      %swap3A_164 = tpu.vector_load %arg6[%swap3A_162, %swap3A_163] {strides = array<i32>} : memref<128x128xf32, #tpu.memory_space<vmem>>, vector<1x16xf32>,
      %swap3A_165 = vector.shape_cast %swap3A_164 : vector<1x16xf32> to vector<16xf32>
      %swap3A_166 = vector.shape_cast %broadcast_in_dim3A_161 : vector<16xf32> to vector<1x16xf32>
      tpu.vector_store %arg6[%swap3A_162, %swap3A_163], %swap3A_166 {strides = array<i32>} : memref<128x128xf32, #tpu.memory_space<vmem>>, vector<1x16xf32>,
      %broadcast_in_dim3A_167 = arith.constant 0.000000e+00 : f32
      %broadcast_in_dim3A_168 = vector.broadcast %broadcast_in_dim3A_167 : f32 to vector<16xf32>
      %swap3A_169 = arith.index_cast %scan3A_133 : i32 to index
      %swap3A_170 = arith.constant 80 : index
      %swap3A_171 = tpu.vector_load %arg6[%swap3A_169, %swap3A_170] {strides = array<i32>} : memref<128x128xf32, #tpu.memory_space<vmem>>, vector<1x16xf32>,
      %swap3A_172 = vector.shape_cast %swap3A_171 : vector<1x16xf32> to vector<16xf32>
      %swap3A_173 = vector.shape_cast %broadcast_in_dim3A_168 : vector<16xf32> to vector<1x16xf32>
      tpu.vector_store %arg6[%swap3A_169, %swap3A_170], %swap3A_173 {strides = array<i32>} : memref<128x128xf32, #tpu.memory_space<vmem>>, vector<1x16xf32>,
      %broadcast_in_dim3A_174 = arith.constant 0.000000e+00 : f32
      %broadcast_in_dim3A_175 = vector.broadcast %broadcast_in_dim3A_174 : f32 to vector<16xf32>
      %swap3A_176 = arith.index_cast %scan3A_133 : i32 to index
      %swap3A_177 = arith.constant 96 : index
      %swap3A_178 = tpu.vector_load %arg6[%swap3A_176, %swap3A_177] {strides = array<i32>} : memref<128x128xf32, #tpu.memory_space<vmem>>, vector<1x16xf32>,
      %swap3A_179 = vector.shape_cast %swap3A_178 : vector<1x16xf32> to vector<16xf32>
      %swap3A_180 = vector.shape_cast %broadcast_in_dim3A_175 : vector<16xf32> to vector<1x16xf32>
      tpu.vector_store %arg6[%swap3A_176, %swap3A_177], %swap3A_180 {strides = array<i32>} : memref<128x128xf32, #tpu.memory_space<vmem>>, vector<1x16xf32>,
      %broadcast_in_dim3A_181 = arith.constant 0.000000e+00 : f32
      %broadcast_in_dim3A_182 = vector.broadcast %broadcast_in_dim3A_181 : f32 to vector<16xf32>
      %swap3A_183 = arith.index_cast %scan3A_133 : i32 to index
      %swap3A_184 = arith.constant 112 : index
      %swap3A_185 = tpu.vector_load %arg6[%swap3A_183, %swap3A_184] {strides = array<i32>} : memref<128x128xf32, #tpu.memory_space<vmem>>, vector<1x16xf32>,
      %swap3A_186 = vector.shape_cast %swap3A_185 : vector<1x16xf32> to vector<16xf32>
      %swap3A_187 = vector.shape_cast %broadcast_in_dim3A_182 : vector<16xf32> to vector<1x16xf32>
      tpu.vector_store %arg6[%swap3A_183, %swap3A_184], %swap3A_187 {strides = array<i32>} : memref<128x128xf32, #tpu.memory_space<vmem>>, vector<1x16xf32>,
    }
    %scan3A_13 = arith.constant 128 : i32
    %add3A_14 = arith.constant 0 : i32
    %add3A_15 = arith.addi %add3A_8, %add3A_14 : i32
    %mul3A_16 = arith.constant 128 : i32
    %mul3A_17 = arith.muli %add3A_15, %mul3A_16 : i32
    %dma_start3A = arith.constant 0 : i32
    %dma_start3A_18 = tpu.memref_slice %arg3[%dma_start3A, %mul3A_17] : memref<2x320000xi32, #tpu.memory_space<hbm>> -> memref<2x128xi32, #tpu.memory_space<hbm>>
    %dma_start3A_19 = arith.constant 0 : i32
    %dma_start3A_20 = tpu.memref_slice %arg3[%dma_start3A_19, %mul3A_17] : memref<2x320000xi32, #tpu.memory_space<hbm>> -> memref<2x128xi32, #tpu.memory_space<hbm>>
    tpu.enqueue_dma source(%dma_start3A_20 : memref<2x128xi32, #tpu.memory_space<hbm>>) target(%arg9 : memref<2x128xi32, #tpu.memory_space<vmem>>) target_semaphore(%arg21 : memref<!tpu.dma_semaphore, #tpu.memory_space<semaphore_mem>>)
    %add3A_21 = arith.constant 1 : i32
    %add3A_22 = arith.addi %add3A_8, %add3A_21 : i32
    %mul3A_23 = arith.constant 128 : i32
    %mul3A_24 = arith.muli %add3A_22, %mul3A_23 : i32
    %dma_start3A_25 = arith.constant 0 : i32
    %dma_start3A_26 = tpu.memref_slice %arg3[%dma_start3A_25, %mul3A_24] : memref<2x320000xi32, #tpu.memory_space<hbm>> -> memref<2x128xi32, #tpu.memory_space<hbm>>
    %dma_start3A_27 = arith.constant 0 : i32
    %dma_start3A_28 = tpu.memref_slice %arg3[%dma_start3A_27, %mul3A_24] : memref<2x320000xi32, #tpu.memory_space<hbm>> -> memref<2x128xi32, #tpu.memory_space<hbm>>
    tpu.enqueue_dma source(%dma_start3A_28 : memref<2x128xi32, #tpu.memory_space<hbm>>) target(%arg10 : memref<2x128xi32, #tpu.memory_space<vmem>>) target_semaphore(%arg22 : memref<!tpu.dma_semaphore, #tpu.memory_space<semaphore_mem>>)
    %mul3A_29 = arith.constant 632 : i32
    %mul3A_30 = arith.muli %arg1, %mul3A_29 : i32
    %add3A_31 = arith.constant 0 : i32
    %add3A_32 = arith.addi %mul3A_30, %add3A_31 : i32
    %dma_start3A_33 = arith.constant 0 : i32
    %dma_start3A_34 = tpu.memref_slice %arg5[%add3A_32, %dma_start3A_33] : memref<10112x128xf32, #tpu.memory_space<vmem_shared>> -> memref<128x128xf32, #tpu.memory_space<vmem_shared>>
    %dma_start3A_35 = arith.constant 0 : i32
    %dma_start3A_36 = tpu.memref_slice %arg5[%add3A_32, %dma_start3A_35] : memref<10112x128xf32, #tpu.memory_space<vmem_shared>> -> memref<128x128xf32, #tpu.memory_space<vmem_shared>>
    tpu.enqueue_dma source(%arg6 : memref<128x128xf32, #tpu.memory_space<vmem>>) target(%dma_start3A_36 : memref<128x128xf32, #tpu.memory_space<vmem_shared>>) target_semaphore(%arg24 : memref<!tpu.dma_semaphore, #tpu.memory_space<semaphore_mem>>)
    %add3A_37 = arith.constant 128 : i32
    %add3A_38 = arith.addi %mul3A_30, %add3A_37 : i32
    %dma_start3A_39 = arith.constant 0 : i32
    %dma_start3A_40 = tpu.memref_slice %arg5[%add3A_38, %dma_start3A_39] : memref<10112x128xf32, #tpu.memory_space<vmem_shared>> -> memref<128x128xf32, #tpu.memory_space<vmem_shared>>
    %dma_start3A_41 = arith.constant 0 : i32
    %dma_start3A_42 = tpu.memref_slice %arg5[%add3A_38, %dma_start3A_41] : memref<10112x128xf32, #tpu.memory_space<vmem_shared>> -> memref<128x128xf32, #tpu.memory_space<vmem_shared>>
    tpu.enqueue_dma source(%arg6 : memref<128x128xf32, #tpu.memory_space<vmem>>) target(%dma_start3A_42 : memref<128x128xf32, #tpu.memory_space<vmem_shared>>) target_semaphore(%arg24 : memref<!tpu.dma_semaphore, #tpu.memory_space<semaphore_mem>>)
    %add3A_43 = arith.constant 256 : i32
    %add3A_44 = arith.addi %mul3A_30, %add3A_43 : i32
    %dma_start3A_45 = arith.constant 0 : i32
    %dma_start3A_46 = tpu.memref_slice %arg5[%add3A_44, %dma_start3A_45] : memref<10112x128xf32, #tpu.memory_space<vmem_shared>> -> memref<128x128xf32, #tpu.memory_space<vmem_shared>>
    %dma_start3A_47 = arith.constant 0 : i32
    %dma_start3A_48 = tpu.memref_slice %arg5[%add3A_44, %dma_start3A_47] : memref<10112x128xf32, #tpu.memory_space<vmem_shared>> -> memref<128x128xf32, #tpu.memory_space<vmem_shared>>
    tpu.enqueue_dma source(%arg6 : memref<128x128xf32, #tpu.memory_space<vmem>>) target(%dma_start3A_48 : memref<128x128xf32, #tpu.memory_space<vmem_shared>>) target_semaphore(%arg24 : memref<!tpu.dma_semaphore, #tpu.memory_space<semaphore_mem>>)
    %add3A_49 = arith.constant 384 : i32
    %add3A_50 = arith.addi %mul3A_30, %add3A_49 : i32
    %dma_start3A_51 = arith.constant 0 : i32
    %dma_start3A_52 = tpu.memref_slice %arg5[%add3A_50, %dma_start3A_51] : memref<10112x128xf32, #tpu.memory_space<vmem_shared>> -> memref<128x128xf32, #tpu.memory_space<vmem_shared>>
    %dma_start3A_53 = arith.constant 0 : i32
    %dma_start3A_54 = tpu.memref_slice %arg5[%add3A_50, %dma_start3A_53] : memref<10112x128xf32, #tpu.memory_space<vmem_shared>> -> memref<128x128xf32, #tpu.memory_space<vmem_shared>>
    tpu.enqueue_dma source(%arg6 : memref<128x128xf32, #tpu.memory_space<vmem>>) target(%dma_start3A_54 : memref<128x128xf32, #tpu.memory_space<vmem_shared>>) target_semaphore(%arg24 : memref<!tpu.dma_semaphore, #tpu.memory_space<semaphore_mem>>)
    %add3A_55 = arith.constant 512 : i32
    %add3A_56 = arith.addi %mul3A_30, %add3A_55 : i32
    %dma_start3A_57 = arith.constant 0 : i32
    %dma_start3A_58 = arith.constant 0 : i32
    %dma_start3A_59 = tpu.memref_slice %arg6[%dma_start3A_57, %dma_start3A_58] : memref<128x128xf32, #tpu.memory_space<vmem>> -> memref<120x128xf32, #tpu.memory_space<vmem>>
    %dma_start3A_60 = arith.constant 0 : i32
    %dma_start3A_61 = tpu.memref_slice %arg5[%add3A_56, %dma_start3A_60] : memref<10112x128xf32, #tpu.memory_space<vmem_shared>> -> memref<120x128xf32, #tpu.memory_space<vmem_shared>>
    %dma_start3A_62 = arith.constant 0 : i32
    %dma_start3A_63 = tpu.memref_slice %arg5[%add3A_56, %dma_start3A_62] : memref<10112x128xf32, #tpu.memory_space<vmem_shared>> -> memref<120x128xf32, #tpu.memory_space<vmem_shared>>
    %dma_start3A_64 = arith.constant 0 : i32
    %dma_start3A_65 = arith.constant 0 : i32
    %dma_start3A_66 = tpu.memref_slice %arg6[%dma_start3A_64, %dma_start3A_65] : memref<128x128xf32, #tpu.memory_space<vmem>> -> memref<120x128xf32, #tpu.memory_space<vmem>>
    tpu.enqueue_dma source(%dma_start3A_66 : memref<120x128xf32, #tpu.memory_space<vmem>>) target(%dma_start3A_63 : memref<120x128xf32, #tpu.memory_space<vmem_shared>>) target_semaphore(%arg24 : memref<!tpu.dma_semaphore, #tpu.memory_space<semaphore_mem>>)
    %add3A_67 = arith.constant 0 : i32
    %add3A_68 = arith.addi %mul3A_30, %add3A_67 : i32
    %dma_wait3A = arith.constant 0 : i32
    %dma_wait3A_69 = tpu.memref_slice %arg5[%add3A_68, %dma_wait3A] : memref<10112x128xf32, #tpu.memory_space<vmem_shared>> -> memref<128x128xf32, #tpu.memory_space<vmem_shared>>
    %dma_wait3A_70 = arith.constant 0 : i32
    %dma_wait3A_71 = tpu.memref_slice %arg5[%add3A_68, %dma_wait3A_70] : memref<10112x128xf32, #tpu.memory_space<vmem_shared>> -> memref<128x128xf32, #tpu.memory_space<vmem_shared>>
    tpu.wait_dma2 semaphore(%arg24 : memref<!tpu.dma_semaphore, #tpu.memory_space<semaphore_mem>>) src(%arg6 : memref<128x128xf32, #tpu.memory_space<vmem>>) dst(%dma_wait3A_71 : memref<128x128xf32, #tpu.memory_space<vmem_shared>>)
    %add3A_72 = arith.constant 128 : i32
    %add3A_73 = arith.addi %mul3A_30, %add3A_72 : i32
    %dma_wait3A_74 = arith.constant 0 : i32
    %dma_wait3A_75 = tpu.memref_slice %arg5[%add3A_73, %dma_wait3A_74] : memref<10112x128xf32, #tpu.memory_space<vmem_shared>> -> memref<128x128xf32, #tpu.memory_space<vmem_shared>>
    %dma_wait3A_76 = arith.constant 0 : i32
    %dma_wait3A_77 = tpu.memref_slice %arg5[%add3A_73, %dma_wait3A_76] : memref<10112x128xf32, #tpu.memory_space<vmem_shared>> -> memref<128x128xf32, #tpu.memory_space<vmem_shared>>
    tpu.wait_dma2 semaphore(%arg24 : memref<!tpu.dma_semaphore, #tpu.memory_space<semaphore_mem>>) src(%arg6 : memref<128x128xf32, #tpu.memory_space<vmem>>) dst(%dma_wait3A_77 : memref<128x128xf32, #tpu.memory_space<vmem_shared>>)
    %add3A_78 = arith.constant 256 : i32
    %add3A_79 = arith.addi %mul3A_30, %add3A_78 : i32
    %dma_wait3A_80 = arith.constant 0 : i32
    %dma_wait3A_81 = tpu.memref_slice %arg5[%add3A_79, %dma_wait3A_80] : memref<10112x128xf32, #tpu.memory_space<vmem_shared>> -> memref<128x128xf32, #tpu.memory_space<vmem_shared>>
    %dma_wait3A_82 = arith.constant 0 : i32
    %dma_wait3A_83 = tpu.memref_slice %arg5[%add3A_79, %dma_wait3A_82] : memref<10112x128xf32, #tpu.memory_space<vmem_shared>> -> memref<128x128xf32, #tpu.memory_space<vmem_shared>>
    tpu.wait_dma2 semaphore(%arg24 : memref<!tpu.dma_semaphore, #tpu.memory_space<semaphore_mem>>) src(%arg6 : memref<128x128xf32, #tpu.memory_space<vmem>>) dst(%dma_wait3A_83 : memref<128x128xf32, #tpu.memory_space<vmem_shared>>)
    %add3A_84 = arith.constant 384 : i32
    %add3A_85 = arith.addi %mul3A_30, %add3A_84 : i32
    %dma_wait3A_86 = arith.constant 0 : i32
    %dma_wait3A_87 = tpu.memref_slice %arg5[%add3A_85, %dma_wait3A_86] : memref<10112x128xf32, #tpu.memory_space<vmem_shared>> -> memref<128x128xf32, #tpu.memory_space<vmem_shared>>
    %dma_wait3A_88 = arith.constant 0 : i32
    %dma_wait3A_89 = tpu.memref_slice %arg5[%add3A_85, %dma_wait3A_88] : memref<10112x128xf32, #tpu.memory_space<vmem_shared>> -> memref<128x128xf32, #tpu.memory_space<vmem_shared>>
    tpu.wait_dma2 semaphore(%arg24 : memref<!tpu.dma_semaphore, #tpu.memory_space<semaphore_mem>>) src(%arg6 : memref<128x128xf32, #tpu.memory_space<vmem>>) dst(%dma_wait3A_89 : memref<128x128xf32, #tpu.memory_space<vmem_shared>>)
    %add3A_90 = arith.constant 512 : i32
    %add3A_91 = arith.addi %mul3A_30, %add3A_90 : i32
    %dma_wait3A_92 = arith.constant 0 : i32
    %dma_wait3A_93 = arith.constant 0 : i32
    %dma_wait3A_94 = tpu.memref_slice %arg6[%dma_wait3A_92, %dma_wait3A_93] : memref<128x128xf32, #tpu.memory_space<vmem>> -> memref<120x128xf32, #tpu.memory_space<vmem>>
    %dma_wait3A_95 = arith.constant 0 : i32
    %dma_wait3A_96 = tpu.memref_slice %arg5[%add3A_91, %dma_wait3A_95] : memref<10112x128xf32, #tpu.memory_space<vmem_shared>> -> memref<120x128xf32, #tpu.memory_space<vmem_shared>>
    %dma_wait3A_97 = arith.constant 0 : i32
    %dma_wait3A_98 = tpu.memref_slice %arg5[%add3A_91, %dma_wait3A_97] : memref<10112x128xf32, #tpu.memory_space<vmem_shared>> -> memref<120x128xf32, #tpu.memory_space<vmem_shared>>
    %dma_wait3A_99 = arith.constant 0 : i32
    %dma_wait3A_100 = arith.constant 0 : i32
    %dma_wait3A_101 = tpu.memref_slice %arg6[%dma_wait3A_99, %dma_wait3A_100] : memref<128x128xf32, #tpu.memory_space<vmem>> -> memref<120x128xf32, #tpu.memory_space<vmem>>
    tpu.wait_dma2 semaphore(%arg24 : memref<!tpu.dma_semaphore, #tpu.memory_space<semaphore_mem>>) src(%dma_wait3A_101 : memref<120x128xf32, #tpu.memory_space<vmem>>) dst(%dma_wait3A_98 : memref<120x128xf32, #tpu.memory_space<vmem_shared>>)
    %barrier3A = arith.constant 0 : index
    tpu.barrier barrier_id(%barrier3A)
    %add3A_102 = arith.constant 0 : i32
    %add3A_103 = arith.addi %add3A_8, %add3A_102 : i32
    %mul3A_104 = arith.constant 128 : i32
    %mul3A_105 = arith.muli %add3A_103, %mul3A_104 : i32
    %dma_wait3A_106 = arith.constant 0 : i32
    %dma_wait3A_107 = tpu.memref_slice %arg3[%dma_wait3A_106, %mul3A_105] : memref<2x320000xi32, #tpu.memory_space<hbm>> -> memref<2x128xi32, #tpu.memory_space<hbm>>
    %dma_wait3A_108 = arith.constant 0 : i32
    %dma_wait3A_109 = tpu.memref_slice %arg3[%dma_wait3A_108, %mul3A_105] : memref<2x320000xi32, #tpu.memory_space<hbm>> -> memref<2x128xi32, #tpu.memory_space<hbm>>
    tpu.wait_dma2 semaphore(%arg21 : memref<!tpu.dma_semaphore, #tpu.memory_space<semaphore_mem>>) src(%dma_wait3A_109 : memref<2x128xi32, #tpu.memory_space<hbm>>) dst(%arg9 : memref<2x128xi32, #tpu.memory_space<vmem>>)
    %dma_start3A_110 = arith.constant 0 : i32
    %dma_start3A_111 = arith.constant 0 : i32
    %dma_start3A_112 = tpu.memref_slice %arg9[%dma_start3A_110, %dma_start3A_111] : memref<2x128xi32, #tpu.memory_space<vmem>> -> memref<1x128xi32, #tpu.memory_space<vmem>>
    %dma_start3A_113 = tpu.memref_squeeze %dma_start3A_112 : memref<1x128xi32, #tpu.memory_space<vmem>> -> memref<128xi32, #tpu.memory_space<vmem>>
    %dma_start3A_114 = arith.constant 0 : i32
    %dma_start3A_115 = arith.constant 0 : i32
    %dma_start3A_116 = tpu.memref_slice %arg2[%dma_start3A_114, %dma_start3A_115] : memref<10000x128xf32, #tpu.memory_space<hbm>> -> memref<10000x128xf32, #tpu.memory_space<hbm>>
    tpu.enqueue_indirect_dma source(%dma_start3A_116 : memref<10000x128xf32, #tpu.memory_space<hbm>>) target(%arg6 : memref<128x128xf32, #tpu.memory_space<vmem>>) offsets(%dma_start3A_113 : memref<128xi32, #tpu.memory_space<vmem>>) semaphore(%arg12 : memref<!tpu.dma_semaphore, #tpu.memory_space<semaphore_mem>>)
    %scan3A_117 = arith.constant 0 : i32
    %scan3A_118 = arith.constant 0 : i32
    %scan3A_119 = arith.constant 26 : i32
    %scan3A_120 = arith.addi %scan3A_118, %scan3A_119 : i32
    %scan3A_121 = arith.constant 1 : i32
    scf.for %scan3A_133 = %scan3A_118 to %scan3A_120 step %scan3A_121  : i32 {
      %mul3A_134 = arith.constant 3 : i32
      %mul3A_135 = arith.muli %mul3A_134, %scan3A_133 : i32
      %add3A_136 = arith.constant 0 : i32
      %add3A_137 = arith.addi %mul3A_135, %add3A_136 : i32
      %ge3A = arith.constant 1 : i32
      %ge3A_138 = arith.cmpi sge, %add3A_137, %ge3A : i32
      %convert_element_type3A_139 = arith.extui %ge3A_138 : i1 to i32
      %cond3A_140 = arith.constant 0 : i32
      %cond3A_141 = arith.cmpi ne, %convert_element_type3A_139, %cond3A_140 : i32
      scf.if %cond3A_141 {
        %dma_wait3A_227 = arith.constant 1 : i32
        %dma_wait3A_228 = arith.constant 0 : i32
        %dma_wait3A_229 = tpu.memref_slice %arg11[%dma_wait3A_227, %dma_wait3A_228] : memref<2x128xi32, #tpu.memory_space<vmem>> -> memref<1x128xi32, #tpu.memory_space<vmem>>
        %dma_wait3A_230 = tpu.memref_squeeze %dma_wait3A_229 : memref<1x128xi32, #tpu.memory_space<vmem>> -> memref<128xi32, #tpu.memory_space<vmem>>
        %dma_wait3A_231 = arith.constant 0 : i32
        %dma_wait3A_232 = arith.constant 0 : i32
        %dma_wait3A_233 = tpu.memref_slice %arg5[%dma_wait3A_231, %dma_wait3A_232] : memref<10112x128xf32, #tpu.memory_space<vmem_shared>> -> memref<10112x128xf32, #tpu.memory_space<vmem_shared>>
        tpu.wait_indirect_dma semaphore(%arg20 : memref<!tpu.dma_semaphore, #tpu.memory_space<semaphore_mem>>) src(%arg8 : memref<128x128xf32, #tpu.memory_space<vmem>>) dst(%dma_wait3A_233 : memref<10112x128xf32, #tpu.memory_space<vmem_shared>>)
      } else {
      }
      %le3A = arith.constant 76 : i32
      %le3A_142 = arith.cmpi sle, %add3A_137, %le3A : i32
      %convert_element_type3A_143 = arith.extui %le3A_142 : i1 to i32
      %cond3A_144 = arith.constant 0 : i32
      %cond3A_145 = arith.cmpi ne, %convert_element_type3A_143, %cond3A_144 : i32
      scf.if %cond3A_145 {
        %add3A_227 = arith.constant 1 : i32
        %add3A_228 = arith.addi %add3A_137, %add3A_227 : i32
        %add3A_229 = arith.addi %add3A_8, %add3A_228 : i32
        %mul3A_230 = arith.constant 128 : i32
        %mul3A_231 = arith.muli %add3A_229, %mul3A_230 : i32
        %dma_wait3A_232 = arith.constant 0 : i32
        %dma_wait3A_233 = tpu.memref_slice %arg3[%dma_wait3A_232, %mul3A_231] : memref<2x320000xi32, #tpu.memory_space<hbm>> -> memref<2x128xi32, #tpu.memory_space<hbm>>
        %dma_wait3A_234 = arith.constant 0 : i32
        %dma_wait3A_235 = tpu.memref_slice %arg3[%dma_wait3A_234, %mul3A_231] : memref<2x320000xi32, #tpu.memory_space<hbm>> -> memref<2x128xi32, #tpu.memory_space<hbm>>
        tpu.wait_dma2 semaphore(%arg22 : memref<!tpu.dma_semaphore, #tpu.memory_space<semaphore_mem>>) src(%dma_wait3A_235 : memref<2x128xi32, #tpu.memory_space<hbm>>) dst(%arg10 : memref<2x128xi32, #tpu.memory_space<vmem>>)
        %dma_start3A_236 = arith.constant 0 : i32
        %dma_start3A_237 = arith.constant 0 : i32
        %dma_start3A_238 = tpu.memref_slice %arg10[%dma_start3A_236, %dma_start3A_237] : memref<2x128xi32, #tpu.memory_space<vmem>> -> memref<1x128xi32, #tpu.memory_space<vmem>>
        %dma_start3A_239 = tpu.memref_squeeze %dma_start3A_238 : memref<1x128xi32, #tpu.memory_space<vmem>> -> memref<128xi32, #tpu.memory_space<vmem>>
        %dma_start3A_240 = arith.constant 0 : i32
        %dma_start3A_241 = arith.constant 0 : i32
        %dma_start3A_242 = tpu.memref_slice %arg2[%dma_start3A_240, %dma_start3A_241] : memref<10000x128xf32, #tpu.memory_space<hbm>> -> memref<10000x128xf32, #tpu.memory_space<hbm>>
        tpu.enqueue_indirect_dma source(%dma_start3A_242 : memref<10000x128xf32, #tpu.memory_space<hbm>>) target(%arg7 : memref<128x128xf32, #tpu.memory_space<vmem>>) offsets(%dma_start3A_239 : memref<128xi32, #tpu.memory_space<vmem>>) semaphore(%arg13 : memref<!tpu.dma_semaphore, #tpu.memory_space<semaphore_mem>>)
      } else {
      }
      %dma_wait3A_146 = arith.constant 0 : i32
      %dma_wait3A_147 = arith.constant 0 : i32
      %dma_wait3A_148 = tpu.memref_slice %arg9[%dma_wait3A_146, %dma_wait3A_147] : memref<2x128xi32, #tpu.memory_space<vmem>> -> memref<1x128xi32, #tpu.memory_space<vmem>>
      %dma_wait3A_149 = tpu.memref_squeeze %dma_wait3A_148 : memref<1x128xi32, #tpu.memory_space<vmem>> -> memref<128xi32, #tpu.memory_space<vmem>>
      %dma_wait3A_150 = arith.constant 0 : i32
      %dma_wait3A_151 = arith.constant 0 : i32
      %dma_wait3A_152 = tpu.memref_slice %arg2[%dma_wait3A_150, %dma_wait3A_151] : memref<10000x128xf32, #tpu.memory_space<hbm>> -> memref<10000x128xf32, #tpu.memory_space<hbm>>
      tpu.wait_indirect_dma semaphore(%arg12 : memref<!tpu.dma_semaphore, #tpu.memory_space<semaphore_mem>>) src(%dma_wait3A_152 : memref<10000x128xf32, #tpu.memory_space<hbm>>) dst(%arg6 : memref<128x128xf32, #tpu.memory_space<vmem>>)
      %dma_start3A_153 = arith.constant 1 : i32
      %dma_start3A_154 = arith.constant 0 : i32
      %dma_start3A_155 = tpu.memref_slice %arg9[%dma_start3A_153, %dma_start3A_154] : memref<2x128xi32, #tpu.memory_space<vmem>> -> memref<1x128xi32, #tpu.memory_space<vmem>>
      %dma_start3A_156 = tpu.memref_squeeze %dma_start3A_155 : memref<1x128xi32, #tpu.memory_space<vmem>> -> memref<128xi32, #tpu.memory_space<vmem>>
      %dma_start3A_157 = arith.constant 0 : i32
      %dma_start3A_158 = arith.constant 0 : i32
      %dma_start3A_159 = tpu.memref_slice %arg5[%dma_start3A_157, %dma_start3A_158] : memref<10112x128xf32, #tpu.memory_space<vmem_shared>> -> memref<10112x128xf32, #tpu.memory_space<vmem_shared>>
      tpu.enqueue_indirect_dma source(%arg6 : memref<128x128xf32, #tpu.memory_space<vmem>>) target(%dma_start3A_159 : memref<10112x128xf32, #tpu.memory_space<vmem_shared>>) offsets(%dma_start3A_156 : memref<128xi32, #tpu.memory_space<vmem>>) semaphore(%arg18 : memref<!tpu.dma_semaphore, #tpu.memory_space<semaphore_mem>>) {add = true}
      %le3A_160 = arith.constant 75 : i32
      %le3A_161 = arith.cmpi sle, %add3A_137, %le3A_160 : i32
      %convert_element_type3A_162 = arith.extui %le3A_161 : i1 to i32
      %cond3A_163 = arith.constant 0 : i32
      %cond3A_164 = arith.cmpi ne, %convert_element_type3A_162, %cond3A_163 : i32
      scf.if %cond3A_164 {
        %add3A_227 = arith.constant 2 : i32
        %add3A_228 = arith.addi %add3A_137, %add3A_227 : i32
        %add3A_229 = arith.addi %add3A_8, %add3A_228 : i32
        %mul3A_230 = arith.constant 128 : i32
        %mul3A_231 = arith.muli %add3A_229, %mul3A_230 : i32
        %dma_start3A_232 = arith.constant 0 : i32
        %dma_start3A_233 = tpu.memref_slice %arg3[%dma_start3A_232, %mul3A_231] : memref<2x320000xi32, #tpu.memory_space<hbm>> -> memref<2x128xi32, #tpu.memory_space<hbm>>
        %dma_start3A_234 = arith.constant 0 : i32
        %dma_start3A_235 = tpu.memref_slice %arg3[%dma_start3A_234, %mul3A_231] : memref<2x320000xi32, #tpu.memory_space<hbm>> -> memref<2x128xi32, #tpu.memory_space<hbm>>
        tpu.enqueue_dma source(%dma_start3A_235 : memref<2x128xi32, #tpu.memory_space<hbm>>) target(%arg11 : memref<2x128xi32, #tpu.memory_space<vmem>>) target_semaphore(%arg23 : memref<!tpu.dma_semaphore, #tpu.memory_space<semaphore_mem>>)
      } else {
      }
      %add3A_165 = arith.constant 1 : i32
      %add3A_166 = arith.addi %mul3A_135, %add3A_165 : i32
      %ge3A_167 = arith.constant 1 : i32
      %ge3A_168 = arith.cmpi sge, %add3A_166, %ge3A_167 : i32
      %convert_element_type3A_169 = arith.extui %ge3A_168 : i1 to i32
      %cond3A_170 = arith.constant 0 : i32
      %cond3A_171 = arith.cmpi ne, %convert_element_type3A_169, %cond3A_170 : i32
      scf.if %cond3A_171 {
        %dma_wait3A_227 = arith.constant 1 : i32
        %dma_wait3A_228 = arith.constant 0 : i32
        %dma_wait3A_229 = tpu.memref_slice %arg9[%dma_wait3A_227, %dma_wait3A_228] : memref<2x128xi32, #tpu.memory_space<vmem>> -> memref<1x128xi32, #tpu.memory_space<vmem>>
        %dma_wait3A_230 = tpu.memref_squeeze %dma_wait3A_229 : memref<1x128xi32, #tpu.memory_space<vmem>> -> memref<128xi32, #tpu.memory_space<vmem>>
        %dma_wait3A_231 = arith.constant 0 : i32
        %dma_wait3A_232 = arith.constant 0 : i32
        %dma_wait3A_233 = tpu.memref_slice %arg5[%dma_wait3A_231, %dma_wait3A_232] : memref<10112x128xf32, #tpu.memory_space<vmem_shared>> -> memref<10112x128xf32, #tpu.memory_space<vmem_shared>>
        tpu.wait_indirect_dma semaphore(%arg18 : memref<!tpu.dma_semaphore, #tpu.memory_space<semaphore_mem>>) src(%arg6 : memref<128x128xf32, #tpu.memory_space<vmem>>) dst(%dma_wait3A_233 : memref<10112x128xf32, #tpu.memory_space<vmem_shared>>)
      } else {
      }
      %le3A_172 = arith.constant 76 : i32
      %le3A_173 = arith.cmpi sle, %add3A_166, %le3A_172 : i32
      %convert_element_type3A_174 = arith.extui %le3A_173 : i1 to i32
      %cond3A_175 = arith.constant 0 : i32
      %cond3A_176 = arith.cmpi ne, %convert_element_type3A_174, %cond3A_175 : i32
      scf.if %cond3A_176 {
        %add3A_227 = arith.constant 1 : i32
        %add3A_228 = arith.addi %add3A_166, %add3A_227 : i32
        %add3A_229 = arith.addi %add3A_8, %add3A_228 : i32
        %mul3A_230 = arith.constant 128 : i32
        %mul3A_231 = arith.muli %add3A_229, %mul3A_230 : i32
        %dma_wait3A_232 = arith.constant 0 : i32
        %dma_wait3A_233 = tpu.memref_slice %arg3[%dma_wait3A_232, %mul3A_231] : memref<2x320000xi32, #tpu.memory_space<hbm>> -> memref<2x128xi32, #tpu.memory_space<hbm>>
        %dma_wait3A_234 = arith.constant 0 : i32
        %dma_wait3A_235 = tpu.memref_slice %arg3[%dma_wait3A_234, %mul3A_231] : memref<2x320000xi32, #tpu.memory_space<hbm>> -> memref<2x128xi32, #tpu.memory_space<hbm>>
        tpu.wait_dma2 semaphore(%arg23 : memref<!tpu.dma_semaphore, #tpu.memory_space<semaphore_mem>>) src(%dma_wait3A_235 : memref<2x128xi32, #tpu.memory_space<hbm>>) dst(%arg11 : memref<2x128xi32, #tpu.memory_space<vmem>>)
        %dma_start3A_236 = arith.constant 0 : i32
        %dma_start3A_237 = arith.constant 0 : i32
        %dma_start3A_238 = tpu.memref_slice %arg11[%dma_start3A_236, %dma_start3A_237] : memref<2x128xi32, #tpu.memory_space<vmem>> -> memref<1x128xi32, #tpu.memory_space<vmem>>
        %dma_start3A_239 = tpu.memref_squeeze %dma_start3A_238 : memref<1x128xi32, #tpu.memory_space<vmem>> -> memref<128xi32, #tpu.memory_space<vmem>>
        %dma_start3A_240 = arith.constant 0 : i32
        %dma_start3A_241 = arith.constant 0 : i32
        %dma_start3A_242 = tpu.memref_slice %arg2[%dma_start3A_240, %dma_start3A_241] : memref<10000x128xf32, #tpu.memory_space<hbm>> -> memref<10000x128xf32, #tpu.memory_space<hbm>>
        tpu.enqueue_indirect_dma source(%dma_start3A_242 : memref<10000x128xf32, #tpu.memory_space<hbm>>) target(%arg8 : memref<128x128xf32, #tpu.memory_space<vmem>>) offsets(%dma_start3A_239 : memref<128xi32, #tpu.memory_space<vmem>>) semaphore(%arg14 : memref<!tpu.dma_semaphore, #tpu.memory_space<semaphore_mem>>)
      } else {
      }
      %dma_wait3A_177 = arith.constant 0 : i32
      %dma_wait3A_178 = arith.constant 0 : i32
      %dma_wait3A_179 = tpu.memref_slice %arg10[%dma_wait3A_177, %dma_wait3A_178] : memref<2x128xi32, #tpu.memory_space<vmem>> -> memref<1x128xi32, #tpu.memory_space<vmem>>
      %dma_wait3A_180 = tpu.memref_squeeze %dma_wait3A_179 : memref<1x128xi32, #tpu.memory_space<vmem>> -> memref<128xi32, #tpu.memory_space<vmem>>
      %dma_wait3A_181 = arith.constant 0 : i32
      %dma_wait3A_182 = arith.constant 0 : i32
      %dma_wait3A_183 = tpu.memref_slice %arg2[%dma_wait3A_181, %dma_wait3A_182] : memref<10000x128xf32, #tpu.memory_space<hbm>> -> memref<10000x128xf32, #tpu.memory_space<hbm>>
      tpu.wait_indirect_dma semaphore(%arg13 : memref<!tpu.dma_semaphore, #tpu.memory_space<semaphore_mem>>) src(%dma_wait3A_183 : memref<10000x128xf32, #tpu.memory_space<hbm>>) dst(%arg7 : memref<128x128xf32, #tpu.memory_space<vmem>>)
      %dma_start3A_184 = arith.constant 1 : i32
      %dma_start3A_185 = arith.constant 0 : i32
      %dma_start3A_186 = tpu.memref_slice %arg10[%dma_start3A_184, %dma_start3A_185] : memref<2x128xi32, #tpu.memory_space<vmem>> -> memref<1x128xi32, #tpu.memory_space<vmem>>
      %dma_start3A_187 = tpu.memref_squeeze %dma_start3A_186 : memref<1x128xi32, #tpu.memory_space<vmem>> -> memref<128xi32, #tpu.memory_space<vmem>>
      %dma_start3A_188 = arith.constant 0 : i32
      %dma_start3A_189 = arith.constant 0 : i32
      %dma_start3A_190 = tpu.memref_slice %arg5[%dma_start3A_188, %dma_start3A_189] : memref<10112x128xf32, #tpu.memory_space<vmem_shared>> -> memref<10112x128xf32, #tpu.memory_space<vmem_shared>>
      tpu.enqueue_indirect_dma source(%arg7 : memref<128x128xf32, #tpu.memory_space<vmem>>) target(%dma_start3A_190 : memref<10112x128xf32, #tpu.memory_space<vmem_shared>>) offsets(%dma_start3A_187 : memref<128xi32, #tpu.memory_space<vmem>>) semaphore(%arg19 : memref<!tpu.dma_semaphore, #tpu.memory_space<semaphore_mem>>) {add = true}
      %le3A_191 = arith.constant 75 : i32
      %le3A_192 = arith.cmpi sle, %add3A_166, %le3A_191 : i32
      %convert_element_type3A_193 = arith.extui %le3A_192 : i1 to i32
      %cond3A_194 = arith.constant 0 : i32
      %cond3A_195 = arith.cmpi ne, %convert_element_type3A_193, %cond3A_194 : i32
      scf.if %cond3A_195 {
        %add3A_227 = arith.constant 2 : i32
        %add3A_228 = arith.addi %add3A_166, %add3A_227 : i32
        %add3A_229 = arith.addi %add3A_8, %add3A_228 : i32
        %mul3A_230 = arith.constant 128 : i32
        %mul3A_231 = arith.muli %add3A_229, %mul3A_230 : i32
        %dma_start3A_232 = arith.constant 0 : i32
        %dma_start3A_233 = tpu.memref_slice %arg3[%dma_start3A_232, %mul3A_231] : memref<2x320000xi32, #tpu.memory_space<hbm>> -> memref<2x128xi32, #tpu.memory_space<hbm>>
        %dma_start3A_234 = arith.constant 0 : i32
        %dma_start3A_235 = tpu.memref_slice %arg3[%dma_start3A_234, %mul3A_231] : memref<2x320000xi32, #tpu.memory_space<hbm>> -> memref<2x128xi32, #tpu.memory_space<hbm>>
        tpu.enqueue_dma source(%dma_start3A_235 : memref<2x128xi32, #tpu.memory_space<hbm>>) target(%arg9 : memref<2x128xi32, #tpu.memory_space<vmem>>) target_semaphore(%arg21 : memref<!tpu.dma_semaphore, #tpu.memory_space<semaphore_mem>>)
      } else {
      }
      %add3A_196 = arith.constant 2 : i32
      %add3A_197 = arith.addi %mul3A_135, %add3A_196 : i32
      %ge3A_198 = arith.constant 1 : i32
      %ge3A_199 = arith.cmpi sge, %add3A_197, %ge3A_198 : i32
      %convert_element_type3A_200 = arith.extui %ge3A_199 : i1 to i32
      %cond3A_201 = arith.constant 0 : i32
      %cond3A_202 = arith.cmpi ne, %convert_element_type3A_200, %cond3A_201 : i32
      scf.if %cond3A_202 {
        %dma_wait3A_227 = arith.constant 1 : i32
        %dma_wait3A_228 = arith.constant 0 : i32
        %dma_wait3A_229 = tpu.memref_slice %arg10[%dma_wait3A_227, %dma_wait3A_228] : memref<2x128xi32, #tpu.memory_space<vmem>> -> memref<1x128xi32, #tpu.memory_space<vmem>>
        %dma_wait3A_230 = tpu.memref_squeeze %dma_wait3A_229 : memref<1x128xi32, #tpu.memory_space<vmem>> -> memref<128xi32, #tpu.memory_space<vmem>>
        %dma_wait3A_231 = arith.constant 0 : i32
        %dma_wait3A_232 = arith.constant 0 : i32
        %dma_wait3A_233 = tpu.memref_slice %arg5[%dma_wait3A_231, %dma_wait3A_232] : memref<10112x128xf32, #tpu.memory_space<vmem_shared>> -> memref<10112x128xf32, #tpu.memory_space<vmem_shared>>
        tpu.wait_indirect_dma semaphore(%arg19 : memref<!tpu.dma_semaphore, #tpu.memory_space<semaphore_mem>>) src(%arg7 : memref<128x128xf32, #tpu.memory_space<vmem>>) dst(%dma_wait3A_233 : memref<10112x128xf32, #tpu.memory_space<vmem_shared>>)
      } else {
      }
      %le3A_203 = arith.constant 76 : i32
      %le3A_204 = arith.cmpi sle, %add3A_197, %le3A_203 : i32
      %convert_element_type3A_205 = arith.extui %le3A_204 : i1 to i32
      %cond3A_206 = arith.constant 0 : i32
      %cond3A_207 = arith.cmpi ne, %convert_element_type3A_205, %cond3A_206 : i32
      scf.if %cond3A_207 {
        %add3A_227 = arith.constant 1 : i32
        %add3A_228 = arith.addi %add3A_197, %add3A_227 : i32
        %add3A_229 = arith.addi %add3A_8, %add3A_228 : i32
        %mul3A_230 = arith.constant 128 : i32
        %mul3A_231 = arith.muli %add3A_229, %mul3A_230 : i32
        %dma_wait3A_232 = arith.constant 0 : i32
        %dma_wait3A_233 = tpu.memref_slice %arg3[%dma_wait3A_232, %mul3A_231] : memref<2x320000xi32, #tpu.memory_space<hbm>> -> memref<2x128xi32, #tpu.memory_space<hbm>>
        %dma_wait3A_234 = arith.constant 0 : i32
        %dma_wait3A_235 = tpu.memref_slice %arg3[%dma_wait3A_234, %mul3A_231] : memref<2x320000xi32, #tpu.memory_space<hbm>> -> memref<2x128xi32, #tpu.memory_space<hbm>>
        tpu.wait_dma2 semaphore(%arg21 : memref<!tpu.dma_semaphore, #tpu.memory_space<semaphore_mem>>) src(%dma_wait3A_235 : memref<2x128xi32, #tpu.memory_space<hbm>>) dst(%arg9 : memref<2x128xi32, #tpu.memory_space<vmem>>)
        %dma_start3A_236 = arith.constant 0 : i32
        %dma_start3A_237 = arith.constant 0 : i32
        %dma_start3A_238 = tpu.memref_slice %arg9[%dma_start3A_236, %dma_start3A_237] : memref<2x128xi32, #tpu.memory_space<vmem>> -> memref<1x128xi32, #tpu.memory_space<vmem>>
        %dma_start3A_239 = tpu.memref_squeeze %dma_start3A_238 : memref<1x128xi32, #tpu.memory_space<vmem>> -> memref<128xi32, #tpu.memory_space<vmem>>
        %dma_start3A_240 = arith.constant 0 : i32
        %dma_start3A_241 = arith.constant 0 : i32
        %dma_start3A_242 = tpu.memref_slice %arg2[%dma_start3A_240, %dma_start3A_241] : memref<10000x128xf32, #tpu.memory_space<hbm>> -> memref<10000x128xf32, #tpu.memory_space<hbm>>
        tpu.enqueue_indirect_dma source(%dma_start3A_242 : memref<10000x128xf32, #tpu.memory_space<hbm>>) target(%arg6 : memref<128x128xf32, #tpu.memory_space<vmem>>) offsets(%dma_start3A_239 : memref<128xi32, #tpu.memory_space<vmem>>) semaphore(%arg12 : memref<!tpu.dma_semaphore, #tpu.memory_space<semaphore_mem>>)
      } else {
      }
      %dma_wait3A_208 = arith.constant 0 : i32
      %dma_wait3A_209 = arith.constant 0 : i32
      %dma_wait3A_210 = tpu.memref_slice %arg11[%dma_wait3A_208, %dma_wait3A_209] : memref<2x128xi32, #tpu.memory_space<vmem>> -> memref<1x128xi32, #tpu.memory_space<vmem>>
      %dma_wait3A_211 = tpu.memref_squeeze %dma_wait3A_210 : memref<1x128xi32, #tpu.memory_space<vmem>> -> memref<128xi32, #tpu.memory_space<vmem>>
      %dma_wait3A_212 = arith.constant 0 : i32
      %dma_wait3A_213 = arith.constant 0 : i32
      %dma_wait3A_214 = tpu.memref_slice %arg2[%dma_wait3A_212, %dma_wait3A_213] : memref<10000x128xf32, #tpu.memory_space<hbm>> -> memref<10000x128xf32, #tpu.memory_space<hbm>>
      tpu.wait_indirect_dma semaphore(%arg14 : memref<!tpu.dma_semaphore, #tpu.memory_space<semaphore_mem>>) src(%dma_wait3A_214 : memref<10000x128xf32, #tpu.memory_space<hbm>>) dst(%arg8 : memref<128x128xf32, #tpu.memory_space<vmem>>)
      %dma_start3A_215 = arith.constant 1 : i32
      %dma_start3A_216 = arith.constant 0 : i32
      %dma_start3A_217 = tpu.memref_slice %arg11[%dma_start3A_215, %dma_start3A_216] : memref<2x128xi32, #tpu.memory_space<vmem>> -> memref<1x128xi32, #tpu.memory_space<vmem>>
      %dma_start3A_218 = tpu.memref_squeeze %dma_start3A_217 : memref<1x128xi32, #tpu.memory_space<vmem>> -> memref<128xi32, #tpu.memory_space<vmem>>
      %dma_start3A_219 = arith.constant 0 : i32
      %dma_start3A_220 = arith.constant 0 : i32
      %dma_start3A_221 = tpu.memref_slice %arg5[%dma_start3A_219, %dma_start3A_220] : memref<10112x128xf32, #tpu.memory_space<vmem_shared>> -> memref<10112x128xf32, #tpu.memory_space<vmem_shared>>
      tpu.enqueue_indirect_dma source(%arg8 : memref<128x128xf32, #tpu.memory_space<vmem>>) target(%dma_start3A_221 : memref<10112x128xf32, #tpu.memory_space<vmem_shared>>) offsets(%dma_start3A_218 : memref<128xi32, #tpu.memory_space<vmem>>) semaphore(%arg20 : memref<!tpu.dma_semaphore, #tpu.memory_space<semaphore_mem>>) {add = true}
      %le3A_222 = arith.constant 75 : i32
      %le3A_223 = arith.cmpi sle, %add3A_197, %le3A_222 : i32
      %convert_element_type3A_224 = arith.extui %le3A_223 : i1 to i32
      %cond3A_225 = arith.constant 0 : i32
      %cond3A_226 = arith.cmpi ne, %convert_element_type3A_224, %cond3A_225 : i32
      scf.if %cond3A_226 {
        %add3A_227 = arith.constant 2 : i32
        %add3A_228 = arith.addi %add3A_197, %add3A_227 : i32
        %add3A_229 = arith.addi %add3A_8, %add3A_228 : i32
        %mul3A_230 = arith.constant 128 : i32
        %mul3A_231 = arith.muli %add3A_229, %mul3A_230 : i32
        %dma_start3A_232 = arith.constant 0 : i32
        %dma_start3A_233 = tpu.memref_slice %arg3[%dma_start3A_232, %mul3A_231] : memref<2x320000xi32, #tpu.memory_space<hbm>> -> memref<2x128xi32, #tpu.memory_space<hbm>>
        %dma_start3A_234 = arith.constant 0 : i32
        %dma_start3A_235 = tpu.memref_slice %arg3[%dma_start3A_234, %mul3A_231] : memref<2x320000xi32, #tpu.memory_space<hbm>> -> memref<2x128xi32, #tpu.memory_space<hbm>>
        tpu.enqueue_dma source(%dma_start3A_235 : memref<2x128xi32, #tpu.memory_space<hbm>>) target(%arg10 : memref<2x128xi32, #tpu.memory_space<vmem>>) target_semaphore(%arg22 : memref<!tpu.dma_semaphore, #tpu.memory_space<semaphore_mem>>)
      } else {
      }
    }
    %scan3A_122 = arith.constant 26 : i32
    %dma_wait3A_123 = arith.constant 1 : i32
    %dma_wait3A_124 = arith.constant 0 : i32
    %dma_wait3A_125 = tpu.memref_slice %arg11[%dma_wait3A_123, %dma_wait3A_124] : memref<2x128xi32, #tpu.memory_space<vmem>> -> memref<1x128xi32, #tpu.memory_space<vmem>>
    %dma_wait3A_126 = tpu.memref_squeeze %dma_wait3A_125 : memref<1x128xi32, #tpu.memory_space<vmem>> -> memref<128xi32, #tpu.memory_space<vmem>>
    %dma_wait3A_127 = arith.constant 0 : i32
    %dma_wait3A_128 = arith.constant 0 : i32
    %dma_wait3A_129 = tpu.memref_slice %arg5[%dma_wait3A_127, %dma_wait3A_128] : memref<10112x128xf32, #tpu.memory_space<vmem_shared>> -> memref<10112x128xf32, #tpu.memory_space<vmem_shared>>
    tpu.wait_indirect_dma semaphore(%arg20 : memref<!tpu.dma_semaphore, #tpu.memory_space<semaphore_mem>>) src(%arg8 : memref<128x128xf32, #tpu.memory_space<vmem>>) dst(%dma_wait3A_129 : memref<10112x128xf32, #tpu.memory_space<vmem_shared>>)
    %lt3A = arith.constant 2 : i32
    %lt3A_130 = arith.cmpi slt, %arg1, %lt3A : i32
    %convert_element_type3A = arith.extui %lt3A_130 : i1 to i32
    %cond3A = arith.constant 0 : i32
    %cond3A_131 = arith.cmpi ne, %convert_element_type3A, %cond3A : i32
    scf.if %cond3A_131 {
      %add3A_133 = arith.constant 78 : i32
      %add3A_134 = arith.addi %add3A_8, %add3A_133 : i32
      %mul3A_135 = arith.constant 128 : i32
      %mul3A_136 = arith.muli %add3A_134, %mul3A_135 : i32
      "tpu.region"() ({
        %run_scoped3A_151 = tpu.sem_alloc : memref<!tpu.dma_semaphore, #tpu.memory_space<semaphore_mem>>
        %dma_start3A_152 = arith.constant 0 : i32
        %dma_start3A_153 = tpu.memref_slice %arg3[%dma_start3A_152, %mul3A_136] : memref<2x320000xi32, #tpu.memory_space<hbm>> -> memref<2x128xi32, #tpu.memory_space<hbm>>
        %dma_start3A_154 = arith.constant 0 : i32
        %dma_start3A_155 = tpu.memref_slice %arg3[%dma_start3A_154, %mul3A_136] : memref<2x320000xi32, #tpu.memory_space<hbm>> -> memref<2x128xi32, #tpu.memory_space<hbm>>
        tpu.enqueue_dma source(%dma_start3A_155 : memref<2x128xi32, #tpu.memory_space<hbm>>) target(%arg9 : memref<2x128xi32, #tpu.memory_space<vmem>>) target_semaphore(%run_scoped3A_151 : memref<!tpu.dma_semaphore, #tpu.memory_space<semaphore_mem>>)
        %dma_wait3A_156 = arith.constant 0 : i32
        %dma_wait3A_157 = tpu.memref_slice %arg3[%dma_wait3A_156, %mul3A_136] : memref<2x320000xi32, #tpu.memory_space<hbm>> -> memref<2x128xi32, #tpu.memory_space<hbm>>
        %dma_wait3A_158 = arith.constant 0 : i32
        %dma_wait3A_159 = tpu.memref_slice %arg3[%dma_wait3A_158, %mul3A_136] : memref<2x320000xi32, #tpu.memory_space<hbm>> -> memref<2x128xi32, #tpu.memory_space<hbm>>
        tpu.wait_dma2 semaphore(%run_scoped3A_151 : memref<!tpu.dma_semaphore, #tpu.memory_space<semaphore_mem>>) src(%dma_wait3A_159 : memref<2x128xi32, #tpu.memory_space<hbm>>) dst(%arg9 : memref<2x128xi32, #tpu.memory_space<vmem>>)
        tpu.yield
      }) : () -> ()
      %dma_start3A_137 = arith.constant 0 : i32
      %dma_start3A_138 = arith.constant 0 : i32
      %dma_start3A_139 = tpu.memref_slice %arg9[%dma_start3A_137, %dma_start3A_138] : memref<2x128xi32, #tpu.memory_space<vmem>> -> memref<1x128xi32, #tpu.memory_space<vmem>>
      %dma_start3A_140 = tpu.memref_squeeze %dma_start3A_139 : memref<1x128xi32, #tpu.memory_space<vmem>> -> memref<128xi32, #tpu.memory_space<vmem>>
      %dma_start3A_141 = arith.constant 0 : i32
      %dma_start3A_142 = arith.constant 0 : i32
      %dma_start3A_143 = tpu.memref_slice %arg2[%dma_start3A_141, %dma_start3A_142] : memref<10000x128xf32, #tpu.memory_space<hbm>> -> memref<10000x128xf32, #tpu.memory_space<hbm>>
      tpu.enqueue_indirect_dma source(%dma_start3A_143 : memref<10000x128xf32, #tpu.memory_space<hbm>>) target(%arg6 : memref<128x128xf32, #tpu.memory_space<vmem>>) offsets(%dma_start3A_140 : memref<128xi32, #tpu.memory_space<vmem>>) semaphore(%arg12 : memref<!tpu.dma_semaphore, #tpu.memory_space<semaphore_mem>>)
      %dma_wait3A_144 = arith.constant 0 : i32
      %dma_wait3A_145 = arith.constant 0 : i32
      %dma_wait3A_146 = tpu.memref_slice %arg9[%dma_wait3A_144, %dma_wait3A_145] : memref<2x128xi32, #tpu.memory_space<vmem>> -> memref<1x128xi32, #tpu.memory_space<vmem>>
      %dma_wait3A_147 = tpu.memref_squeeze %dma_wait3A_146 : memref<1x128xi32, #tpu.memory_space<vmem>> -> memref<128xi32, #tpu.memory_space<vmem>>
      %dma_wait3A_148 = arith.constant 0 : i32
      %dma_wait3A_149 = arith.constant 0 : i32
      %dma_wait3A_150 = tpu.memref_slice %arg2[%dma_wait3A_148, %dma_wait3A_149] : memref<10000x128xf32, #tpu.memory_space<hbm>> -> memref<10000x128xf32, #tpu.memory_space<hbm>>
      tpu.wait_indirect_dma semaphore(%arg12 : memref<!tpu.dma_semaphore, #tpu.memory_space<semaphore_mem>>) src(%dma_wait3A_150 : memref<10000x128xf32, #tpu.memory_space<hbm>>) dst(%arg6 : memref<128x128xf32, #tpu.memory_space<vmem>>)
      %run_scoped3A = arith.constant 1 : i32
      "tpu.region"() ({
        %run_scoped3A_151 = tpu.sem_alloc : memref<!tpu.dma_semaphore, #tpu.memory_space<semaphore_mem>>
        %dma_start3A_152 = arith.constant 0 : i32
        %dma_start3A_153 = tpu.memref_slice %arg9[%run_scoped3A, %dma_start3A_152] : memref<2x128xi32, #tpu.memory_space<vmem>> -> memref<1x128xi32, #tpu.memory_space<vmem>>
        %dma_start3A_154 = tpu.memref_squeeze %dma_start3A_153 : memref<1x128xi32, #tpu.memory_space<vmem>> -> memref<128xi32, #tpu.memory_space<vmem>>
        %dma_start3A_155 = arith.constant 0 : i32
        %dma_start3A_156 = arith.constant 0 : i32
        %dma_start3A_157 = tpu.memref_slice %arg5[%dma_start3A_155, %dma_start3A_156] : memref<10112x128xf32, #tpu.memory_space<vmem_shared>> -> memref<10112x128xf32, #tpu.memory_space<vmem_shared>>
        tpu.enqueue_indirect_dma source(%arg6 : memref<128x128xf32, #tpu.memory_space<vmem>>) target(%dma_start3A_157 : memref<10112x128xf32, #tpu.memory_space<vmem_shared>>) offsets(%dma_start3A_154 : memref<128xi32, #tpu.memory_space<vmem>>) semaphore(%run_scoped3A_151 : memref<!tpu.dma_semaphore, #tpu.memory_space<semaphore_mem>>) {add = true}
        %dma_wait3A_158 = arith.constant 0 : i32
        %dma_wait3A_159 = tpu.memref_slice %arg9[%run_scoped3A, %dma_wait3A_158] : memref<2x128xi32, #tpu.memory_space<vmem>> -> memref<1x128xi32, #tpu.memory_space<vmem>>
        %dma_wait3A_160 = tpu.memref_squeeze %dma_wait3A_159 : memref<1x128xi32, #tpu.memory_space<vmem>> -> memref<128xi32, #tpu.memory_space<vmem>>
        %dma_wait3A_161 = arith.constant 0 : i32
        %dma_wait3A_162 = arith.constant 0 : i32
        %dma_wait3A_163 = tpu.memref_slice %arg5[%dma_wait3A_161, %dma_wait3A_162] : memref<10112x128xf32, #tpu.memory_space<vmem_shared>> -> memref<10112x128xf32, #tpu.memory_space<vmem_shared>>
        tpu.wait_indirect_dma semaphore(%run_scoped3A_151 : memref<!tpu.dma_semaphore, #tpu.memory_space<semaphore_mem>>) src(%arg6 : memref<128x128xf32, #tpu.memory_space<vmem>>) dst(%dma_wait3A_163 : memref<10112x128xf32, #tpu.memory_space<vmem_shared>>)
        tpu.yield
      }) : () -> ()
    } else {
    }
    %barrier3A_132 = arith.constant 0 : index
    tpu.barrier barrier_id(%barrier3A_132)
    "tpu.region"() ({
      %run_scoped3A = tpu.sem_alloc : memref<!tpu.dma_semaphore, #tpu.memory_space<semaphore_mem>>
      %dma_start3A_133 = arith.constant 0 : i32
      %dma_start3A_134 = tpu.memref_slice %arg4[%arg0, %mul3A_30, %dma_start3A_133] : memref<2x10112x128xf32, #tpu.memory_space<hbm>> -> memref<1x632x128xf32, #tpu.memory_space<hbm>>
      %dma_start3A_135 = tpu.memref_squeeze %dma_start3A_134 : memref<1x632x128xf32, #tpu.memory_space<hbm>> -> memref<632x128xf32, #tpu.memory_space<hbm>>
      %dma_start3A_136 = arith.constant 0 : i32
      %dma_start3A_137 = tpu.memref_slice %arg5[%mul3A_30, %dma_start3A_136] : memref<10112x128xf32, #tpu.memory_space<vmem_shared>> -> memref<632x128xf32, #tpu.memory_space<vmem_shared>>
      tpu.enqueue_dma source(%dma_start3A_137 : memref<632x128xf32, #tpu.memory_space<vmem_shared>>) target(%dma_start3A_135 : memref<632x128xf32, #tpu.memory_space<hbm>>) target_semaphore(%run_scoped3A : memref<!tpu.dma_semaphore, #tpu.memory_space<semaphore_mem>>)
      %dma_wait3A_138 = arith.constant 0 : i32
      %dma_wait3A_139 = tpu.memref_slice %arg4[%arg0, %mul3A_30, %dma_wait3A_138] : memref<2x10112x128xf32, #tpu.memory_space<hbm>> -> memref<1x632x128xf32, #tpu.memory_space<hbm>>
      %dma_wait3A_140 = tpu.memref_squeeze %dma_wait3A_139 : memref<1x632x128xf32, #tpu.memory_space<hbm>> -> memref<632x128xf32, #tpu.memory_space<hbm>>
      %dma_wait3A_141 = arith.constant 0 : i32
      %dma_wait3A_142 = tpu.memref_slice %arg5[%mul3A_30, %dma_wait3A_141] : memref<10112x128xf32, #tpu.memory_space<vmem_shared>> -> memref<632x128xf32, #tpu.memory_space<vmem_shared>>
      tpu.wait_dma2 semaphore(%run_scoped3A : memref<!tpu.dma_semaphore, #tpu.memory_space<semaphore_mem>>) src(%dma_wait3A_142 : memref<632x128xf32, #tpu.memory_space<vmem_shared>>) dst(%dma_wait3A_140 : memref<632x128xf32, #tpu.memory_space<hbm>>)
      tpu.yield
    }) : () -> ()
    return
  }
}

module attributes {stable_mosaic.version = 14 : i64} {
  func.func @_finish_body(%arg0: i32, %arg1: memref<2x10000x128xf32, #tpu.memory_space<vmem>>, %arg2: memref<128x128xf32, #tpu.memory_space<vmem>>, %arg3: memref<1x128xf32, #tpu.memory_space<vmem>>, %arg4: memref<10000x128xf32, #tpu.memory_space<vmem>>) attributes {dimension_semantics = [#tpu.dimension_semantics<arbitrary>], iteration_bounds = array<i64: 1>, scalar_prefetch = 0 : i64, scratch_operands = 0 : i64, tpu.core_type = #tpu.core_type<tc>, window_params = [{transform_indices = @transform_0, window_bounds = array<i64: 2, 10000, 128>}, {pipeline_mode = #tpu.pipeline_mode<synchronous>, transform_indices = @transform_1, window_bounds = array<i64: 128, 128>}, {pipeline_mode = #tpu.pipeline_mode<synchronous>, transform_indices = @transform_2, window_bounds = array<i64: 1, 128>}, {transform_indices = @transform_3, window_bounds = array<i64: 10000, 128>}]} {
    %get3A = arith.constant 0 : index
    %get3A_0 = arith.constant 0 : index
    %get3A_1 = arith.constant 0 : index
    %get3A_2 = vector.load %arg1[%get3A, %get3A_0, %get3A_1] : memref<2x10000x128xf32, #tpu.memory_space<vmem>>, vector<1x10000x128xf32>
    %get3A_3 = vector.shape_cast %get3A_2 : vector<1x10000x128xf32> to vector<10000x128xf32>
    %get3A_4 = arith.constant 1 : index
    %get3A_5 = arith.constant 0 : index
    %get3A_6 = arith.constant 0 : index
    %get3A_7 = vector.load %arg1[%get3A_4, %get3A_5, %get3A_6] : memref<2x10000x128xf32, #tpu.memory_space<vmem>>, vector<1x10000x128xf32>
    %get3A_8 = vector.shape_cast %get3A_7 : vector<1x10000x128xf32> to vector<10000x128xf32>
    %add3A = arith.addf %get3A_3, %get3A_8 : vector<10000x128xf32>
    %get3A_9 = arith.constant 0 : index
    %get3A_10 = arith.constant 0 : index
    %get3A_11 = vector.load %arg2[%get3A_9, %get3A_10] : memref<128x128xf32, #tpu.memory_space<vmem>>, vector<128x128xf32>
    %dot_general3A = arith.constant dense<0.000000e+00> : vector<10000x128xf32>
    %dot_general3A_12 = tpu.matmul %add3A, %get3A_11, %dot_general3A {dimension_numbers = #tpu.dot_dimension_numbers<[1], [1], [0], [0], [0, 0, 1, 0], [], []>, transpose_lhs_hint = false} : vector<10000x128xf32>, vector<128x128xf32>, vector<10000x128xf32> -> vector<10000x128xf32>
    %get3A_13 = arith.constant 0 : index
    %get3A_14 = arith.constant 0 : index
    %get3A_15 = vector.load %arg3[%get3A_13, %get3A_14] : memref<1x128xf32, #tpu.memory_space<vmem>>, vector<1x128xf32>
    %add3A_16 = vector.broadcast %get3A_15 : vector<1x128xf32> to vector<10000x128xf32>
    %add3A_17 = arith.addf %dot_general3A_12, %add3A_16 : vector<10000x128xf32>
    %ge3A = arith.constant 0.000000e+00 : f32
    %ge3A_18 = vector.broadcast %ge3A : f32 to vector<10000x128xf32>
    %ge3A_19 = arith.cmpf oge, %add3A_17, %ge3A_18 : vector<10000x128xf32>
    %mul3A = arith.constant 2.000000e-01 : f32
    %mul3A_20 = vector.broadcast %mul3A : f32 to vector<10000x128xf32>
    %mul3A_21 = arith.mulf %mul3A_20, %add3A_17 : vector<10000x128xf32>
    %select_n3A = arith.select %ge3A_19, %add3A_17, %mul3A_21 : vector<10000x128xi1>, vector<10000x128xf32>
    %swap3A = arith.constant 0 : index
    %swap3A_22 = arith.constant 0 : index
    %swap3A_23 = vector.load %arg4[%swap3A, %swap3A_22] : memref<10000x128xf32, #tpu.memory_space<vmem>>, vector<10000x128xf32>
    tpu.vector_store %arg4[%swap3A, %swap3A_22], %select_n3A {strides = array<i32>} : memref<10000x128xf32, #tpu.memory_space<vmem>>, vector<10000x128xf32>,
    return
  }
  func.func @transform_0(%arg0: i32) -> (i32, i32, i32) {
    %c0_i32 = arith.constant 0 : i32
    %c0_i32_0 = arith.constant 0 : i32
    %c0_i32_1 = arith.constant 0 : i32
    return %c0_i32, %arg0, %c0_i32_0 : i32, i32, i32
  }
  func.func @transform_1(%arg0: i32) -> (i32, i32) {
    %c0_i32 = arith.constant 0 : i32
    %c0_i32_0 = arith.constant 0 : i32
    %c0_i32_1 = arith.constant 0 : i32
    return %c0_i32, %c0_i32_0 : i32, i32
  }
  func.func @transform_2(%arg0: i32) -> (i32, i32) {
    %c0_i32 = arith.constant 0 : i32
    %c0_i32_0 = arith.constant 0 : i32
    %c0_i32_1 = arith.constant 0 : i32
    return %c0_i32, %c0_i32_0 : i32, i32
  }
  func.func @transform_3(%arg0: i32) -> (i32, i32) {
    %c0_i32 = arith.constant 0 : i32
    %c0_i32_0 = arith.constant 0 : i32
    return %arg0, %c0_i32 : i32, i32
  }
}

</mosaic_0001>

<sc_bundles>
// kernel: kernel.4.cloned.1.call-start
scs
__scs_entry_jumppad:
0x0: {  	(pc) =	sbr.rel $0x88, $3  }
0x1: {  	(tag) =	ssettag $0x0;
	lr =	simm.s32 $0x1  }
0x2: {  	[smem:$0x3F9D] =	sst lr;
	_ =	strace $0xD0000000  }
0x3: {  	_ = 	snop  }
0x4: {  	_ = 	snop  }
0x5: {  	_ = 	snop  }
0x6: {  	_ = 	snop  }
0x7: {  	_ = 	snop  }
__scs_overlays_trampoline_lowered:
0x8: {  	[smem:$0x3FAC] =	sst s0  }
0x9: {  	[smem:$0x3FAD] =	sst s1  }
0xa: {  	[smem:$0x3FAE] =	sst s2  }
0xb: {  	[smem:$0x3FAF] =	sst s3  }
0xc: {  	[smem:$0x3FB0] =	sst s4  }
0xd: {  	[smem:$0x3FB1] =	sst s5  }
0xe: {  	[smem:$0x3FB2] =	sst s6  }
0xf: {  	[smem:$0x3FB3] =	sst s7  }
0x10: {  	[smem:$0x3FB4] =	sst s8  }
0x11: {  	[smem:$0x3FB5] =	sst s9;
	s0 =	simm.s32 @!p0 $0x0  }
0x12: {  	s1 =	sld [smem:$0x3F9B];
	s0 =	simm.s32 @p0 $0x1  }
0x13: {  	[smem:$0x3FB6] =	sst s0;
	s0 =	simm.s32 @!p1 $0x0  }
0x14: {  	s2 =	sld [smem:$0x3F9A];
	s0 =	simm.s32 @p1 $0x1  }
0x15: {  	[smem:$0x3FB7] =	sst s0;
	s0 =	simm.s32 @!p2 $0x0  }
0x16: {  	s3 =	sld [smem:$0x3FDB];
	s0 =	simm.s32 @p2 $0x1  }
0x17: {  	s4 =	simm.s32 $0x1BF5;
	[smem:$0x3FB9] =	sst s0  }
0x18: {  	s0 =	sld [smem:$0x3F9C];
	_ =	swait.ge [sflag:s4], $0x0  }
0x19: {  	s7 =	sld [smem:$0x3F9D]  }
0x1a: {  	s8 =	sadd.s32 $0xFFFFE003, lr  }
0x1b: {  	s9 =	sadd.s32 $0xFFFFFEF7, lr;
	s5 =	simm.s32 $0xFFFFFFFF;
	p2 =	slt.u32 s8, $0xFFFFF086  }
0x1c: {  	p1 =	slt.u32 s9, $0xF7A;
	s5 =	simm.s32 @!p2 $0x0  }
0x1d: {  	s5 =	simm.s32 @p1 $0x1;
	p0 =	seq.s32 s7, s2  }
0x1e: {  	s7 =	smul.u32 @!p0 $0xF7A, s2;
	p2 =	seq.s32 @!p0 s5, $0x0  }
0x1f: {  	s9 =	smul.u32 $0xF7A, s1;
	s8 =	simm.s32 @!p0 $0x1BF5;
	p2 =	por !p2, p0  }
0x20: {  	[sflag:s8] =	ssyncset.s32 @!p0 $0xFFFFF086;
	s6 =	sadd.s32 @!p0 s3, s7;
	s7 =	simm.s32 @!p0 $0x108  }
0x21: {  	s3 =	sadd.s32 s3, s9;
	s6 =	sadd.s32 @!p0 $0x88, s6;
	s7 =	simm.s32 @p2 $0x1082  }
0x22: {  	[simem:s7], [sflag:s8] =	dma.local @!p0 [hbm:s6], $0xF7A  }
0x23: {  	s9 =	sor.u32 $0xD0000000, s2;
	s6 =	simm.s32 $0x108;
	_ =	swait.ge @!p0 [sflag:s8], $0x0  }
0x24: {  	s3 =	sadd.s32 $0x88, s3;
	s6 =	simm.s32 @!p1 $0x1082;
	[sflag:s4] =	ssyncset.s32 $0xFFFFF086  }
0x25: {  	[simem:s6], [sflag:s4] =	dma.local [hbm:s3], $0xF7A  }
0x26: {  	[smem:$0x3F9D] =	sst s1;
	(tag) =	ssettag s2;
	_ =	strace s9  }
0x27: {  	s1 =	sld [smem:$0x3FAD]  }
0x28: {  	s2 =	sld [smem:$0x3FAE]  }
0x29: {  	s4 =	sld [smem:$0x3FB0]  }
0x2a: {  	p0 =	seq.s32 s5, $0x0;
	s5 =	sld [smem:$0x3FB1]  }
0x2b: {  	s6 =	sld [smem:$0x3FB2]  }
0x2c: {  	s7 =	sld [smem:$0x3FB3]  }
0x2d: {  	s3 =	simm.s32 $0x108;
	s8 =	sld [smem:$0x3FB4]  }
0x2e: {  	s3 =	simm.s32 @!p0 $0x1082;
	s9 =	sld [smem:$0x3FB5]  }
0x2f: {  	lr =	sadd.s32 s0, s3;
	s0 =	sld [smem:$0x3FAC]  }
0x30: {  	s3 =	sld [smem:$0x3FAF]  }
0x31: {  	[smem:$0x3FB8] =	sst s10  }
0x32: {  	s10 =	sld [smem:$0x3FB6];
	_ =	sdelay $0x3  }
0x33: {  	p0 =	seq.s32 s10, $0x1;
	s10 =	sld [smem:$0x3FB8];
	_ =	sdelay $0x3  }
0x34: {  	[smem:$0x3FB8] =	sst s10  }
0x35: {  	s10 =	sld [smem:$0x3FB7];
	_ =	sdelay $0x3  }
0x36: {  	p1 =	seq.s32 s10, $0x1;
	s10 =	sld [smem:$0x3FB8];
	_ =	sdelay $0x3  }
0x37: {  	[smem:$0x3FB8] =	sst s10  }
0x38: {  	s10 =	sld [smem:$0x3FB9]  }
0x39: {  	_ = 	snop;
	(pc) =	sbr.ind lr, $3  }
0x3a: {  	_ = 	snop  }
0x3b: {  	_ = 	snop  }
0x3c: {  	p2 =	seq.s32 s10, $0x1;
	s10 =	sld [smem:$0x3FB8]  }
0x3d: {  	_ =	shalt  }
0x3e: {  	_ =	shalt  }
0x3f: {  	_ =	shalt  }
0x40: {  	_ =	shalt  }
0x41: {  	_ =	shalt  }
0x42: {  	_ =	shalt  }
0x43: {  	_ =	shalt  }
0x44: {  	_ =	shalt  }
0x45: {  	_ =	shalt  }
0x46: {  	_ =	shalt  }
0x47: {  	_ =	shalt  }
0x48: {  	_ =	shalt  }
0x49: {  	_ =	shalt  }
0x4a: {  	_ =	shalt  }
0x4b: {  	_ =	shalt  }
0x4c: {  	_ =	shalt  }
0x4d: {  	_ =	shalt  }
0x4e: {  	_ =	shalt  }
0x4f: {  	_ =	shalt  }
0x50: {  	_ =	shalt  }
0x51: {  	_ =	shalt  }
0x52: {  	_ =	shalt  }
0x53: {  	_ =	shalt  }
0x54: {  	_ =	shalt  }
0x55: {  	_ =	shalt  }
0x56: {  	_ =	shalt  }
0x57: {  	_ =	shalt  }
0x58: {  	_ =	shalt  }
0x59: {  	_ =	shalt  }
0x5a: {  	_ =	shalt  }
0x5b: {  	_ =	shalt  }
0x5c: {  	_ =	shalt  }
0x5d: {  	_ =	shalt  }
0x5e: {  	_ =	shalt  }
0x5f: {  	_ =	shalt  }
0x60: {  	_ =	shalt  }
0x61: {  	_ =	shalt  }
0x62: {  	_ =	shalt  }
0x63: {  	_ =	shalt  }
0x64: {  	_ =	shalt  }
0x65: {  	_ =	shalt  }
0x66: {  	_ =	shalt  }
0x67: {  	_ =	shalt  }
0x68: {  	_ =	shalt  }
0x69: {  	_ =	shalt  }
0x6a: {  	_ =	shalt  }
0x6b: {  	_ =	shalt  }
0x6c: {  	_ =	shalt  }
0x6d: {  	_ =	shalt  }
0x6e: {  	_ =	shalt  }
0x6f: {  	_ =	shalt  }
0x70: {  	_ =	shalt  }
0x71: {  	_ =	shalt  }
0x72: {  	_ =	shalt  }
0x73: {  	_ =	shalt  }
0x74: {  	_ =	shalt  }
0x75: {  	_ =	shalt  }
0x76: {  	_ =	shalt  }
0x77: {  	_ =	shalt  }
0x78: {  	_ =	shalt  }
0x79: {  	_ =	shalt  }
0x7a: {  	_ =	shalt  }
0x7b: {  	_ =	shalt  }
0x7c: {  	_ =	shalt  }
0x7d: {  	_ =	shalt  }
0x7e: {  	_ =	shalt  }
0x7f: {  	_ =	shalt  }
0x80: {  	_ =	shalt  }
0x81: {  	_ =	shalt  }
0x82: {  	_ =	shalt  }
0x83: {  	_ =	shalt  }
0x84: {  	_ =	shalt  }
0x85: {  	_ =	shalt  }
0x86: {  	_ =	shalt  }
0x87: {  	_ =	shalt  }
.Lfunc_end0:
.L_simem_size_0:
called_computation_lowered:
.L_overlay_start_0:
0x88: {  	s2 =	sld [smem:$0x3FD9]  }
0x89: {  	s3 =	sld [smem:$0x3FFE];
	_ =	sdelay $0x1  }
0x8a: {  	s1 =	srdreg.scid  }
0x8b: {  	s0 =	sand.u32 $0x1, s1  }
0x8c: {  	s17 =	sshll.u32 s0, $0xA;
	s2 =	sadd.s32 s3, s2  }
0x8d: {  	s2 =	sadd.s32 s2, s17  }
0x8e: {  	[smem:$0x3FC4] =	sst s2  }
0x8f: {  	_ = 	snop  }
0x90: {  	s2 =	sld [smem:$0x3FC9]  }
0x91: {  	s18 =	sld [smem:$0x3FC8];
	(tm) =	ssettm $0x1  }
0x92: {  	s4 =	sld [smem:$0x3FFB];
	_ =	sdelay $0x3  }
0x93: {  	_ =	strace s4  }
0x94: {  	s4 =	sld [smem:$0x3FFC];
	_ =	sdelay $0x3  }
0x95: {  	_ =	strace s4  }
0x96: {  	s4 =	sld [smem:$0x3FFD];
	_ =	sdelay $0x3  }
0x97: {  	_ =	strace s4  }
0x98: {  	_ =	strace $0x8FFFFFFF  }
0x99: {  	s19 =	sld [smem:$0x3FDB];
	_ =	sdelay $0x1  }
0x9a: {  	s5 =	simm.s32 $_scs_section_size  }
0x9b: {  	s6 =	simm.s32 $_size__tile_overlayer_lowered;
	s7 =	simm.s32 $_tile_overlayer_lowered  }
0x9c: {  	s22 =	simm.s32 $0x1BFF;
	s21 =	sshll.u32 s7, $0x1;
	s4 =	sadd.s32 s5, s19  }
0x9d: {  	s8 =	simm.s32 $0x0;
	s20 =	sshll.u32 s6, $0x1;
	s6 =	sadd.s32 s21, s4  }
0x9e: {  	[timem:s8], [sflag:s22] =	dma.local [hbm:s6], s20  }
0x9f: {  	_ =	swait.ge [sflag:s22], s20  }
0xa0: {  	s5 =	ssub.s32 $0x0, s20;
	[sflag:s22] =	ssyncset.done $0x0  }
0xa1: {  	[sflag:s22] =	ssyncadd.s32 s5;
	_ =	sdelay $0x1  }
0xa2: {  	s23 =	simm.s32 $0x1B8B  }
0xa3: {  	_ =	swait.ge [sflag:s23], $0x1  }
0xa4: {  	[sflag:s23] =	ssyncset.done $0x0  }
0xa5: {  	s25 =	simm.s32 $0x1B8E;
	s24 =	sld [smem:$0x3FFE];
	[sflag:s23] =	ssyncadd.s32 $0xFFFFFFFF  }
0xa6: {  	s26 =	simm.s32 $execute0_lowered;
	[smem:$0x3FD2] =	sst s25  }
0xa7: {  	s6 =	sshll.u32 s26, $0x1;
	_ =	strace $0x80000046;
	[dreg:$0x1] =	wrdreg $0xFFFFFFFF  }
0xa8: {  	s28 =	simm.s32 $_size_execute0_lowered;
	s4 =	sadd.s32 s4, s6;
	[dreg:$0x0] =	wrdreg $0x0  }
0xa9: {  	s6 =	sshll.u32 s28, $0x1;
	[dreg:$0x2] =	wrdreg s4  }
0xaa: {  	[dreg:$0x3] =	wrdreg s6  }
0xab: {  	[dreg:$0x4] =	wrdreg $0xC0  }
0xac: {  	_ =	task [dreg:s8], $0x5FFFF  }
0xad: {  	[dreg:$0x1] =	wrdreg $0xFFFFFFFF  }
0xae: {  	[dreg:$0x0] =	wrdreg $0x60  }
0xaf: {  	[dreg:$0x2] =	wrdreg s2  }
0xb0: {  	[dreg:$0x3] =	wrdreg s18  }
0xb1: {  	[dreg:$0x4] =	wrdreg s24  }
0xb2: {  	[dreg:$0x5] =	wrdreg $0x0  }
0xb3: {  	[dreg:$0x6] =	wrdreg $0x9  }
0xb4: {  	_ =	task.clear_ibuf [dreg:s8], $0x7FFFF;
	_ =	strace $0x90000046  }
0xb5: {  	s29 =	simm.s32 $0x9;
	_ =	strace $0x80000048  }
0xb6: {  	_ =	swait.ge [sflag:s29], $0x1  }
0xb7: {  	[sflag:s29] =	ssyncadd.s32 $0xFFFFFFFF  }
0xb8: {  	_ =	strace $0x90000048  }
0xb9: {  	_ =	sfence  }
0xba: {  	s30 =	sld [smem:$0x0];
	_ =	sdelay $0x2  }
0xbb: {  	s31 =	sshll.u32 s1, $0xD;
	s1 =	sshrl.u32 s1, $0x2  }
0xbc: {  	s3 =	sand.u32 $0x4000, s31;
	s1 =	sadd.s32 s1, s30  }
0xbd: {  	s0 =	sor.u32 s3, s0;
	s1 =	sshll.u32 s1, $0x11  }
0xbe: {  	s0 =	sor.u32 s1, s0  }
0xbf: {  	s0 =	sadd.s32 $0x8F2B, s0  }
0xc0: {  	[sflag:s0] =	ssyncadd.remote.s32 $0x1  }
0xc1: {  	_ =	sfence.sel $0xFFFF  }
0xc2: {  	[dreg:$0x0] =	wrdreg $0xFFFFFFFF;
	(pc) =	sbr.abs _section_cstart, $3  }
0xc3: {  	[dreg:$0x1] =	wrdreg $0xFFFFFFFF  }
0xc4: {  	_ =	task.clear_ibuf [dreg:s8], $0x2FFFF;
	_ =	strace $0x9FFFFFFF  }
0xc5: {  	(tm) =	ssettm $0x7FFFFFFF  }
tec
execute0_lowered:
.L_overlay_start_1:
0x0: {  	(tag) =	ssettag $0x1  }
0x1: {  	s0 =	rddreg [dreg:$0x0]  }
0x2: {  	s2 =	rddreg [dreg:$0x1]  }
0x3: {  	s1 =	srdreg.scid;
	s5 =	rddreg [dreg:$0x2]  }
0x4: {  	s14 =	stileid.u32;
	s3 =	rddreg [dreg:$0x3]  }
0x5: {  	s28 =	simm.s32 $0x1;
	s29 =	simm.s32 $0x1FC80;
	s9 =	smul.u32 $0x13C00, s14  }
0x6: {  	s30 =	simm.s32 $0x1FE00;
	s31 =	simm.s32 $0x4;
	s24 =	smul.u32 $0x4F000, s14  }
0x7: {  	s1 =	sand.u32 $0x1, s1;
	s23 =	smul.u32 $0x9C0, s14;
	p0 =	sgt.u32 s14, $0x1  }
0x8: {  	s4 =	sshll.u32 s1, $0x4;
	s6 =	smul.u32 $0x13C000, s1;
	s25 =	ssub.s32 $0x2, s1  }
0x9: {  	s1 =	smul.u32 $0x9C00, s1;
	s7 =	sor.u32 s14, s4;
	s4 =	simm.s32 $0x0  }
0xa: {  	s26 =	sshrl.u32 s25, $0x1;
	s14 =	simm.s32 $0x0;
	s8 =	smul.u32 $0x4E, s7  }
0xb: {  	s10 =	smin.u32 s7, $0x2;
	s7 =	smax.u32 s7, $0x10;
	[smem:$0x7FF] =	sst s4  }
0xc: {  	s6 =	sadd.s32 s9, s6;
	s9 =	sshrl.u32 s24, $0x2;
	s13 =	ssub.s32 s25, s26  }
0xd: {  	s1 =	sadd.s32 s1, s2;
	s7 =	smin.u32 s7, $0x12;
	_ =	strace $0x80000047  }
0xe: {  	s6 =	sshrl.u32 s6, $0x3;
	s21 =	smax.u32 s13, $0x1;
	s1 =	sadd.s32 s23, s1  }
0xf: {  	s23 =	simm.s32 $0x7;
	s13 =	simm.s32 $0xB;
	s8 =	sadd.s32 s10, s8  }
0x10: {  	s11 =	sadd.s32 s6, s5;
	s6 =	sadd.s32 s9, s3;
	[dreg:$0xd] =	wrdreg s21  }
0x11: {  	s25 =	sadd.s32 s10, s7;
	s21 =	simm.s32 $0x13C00;
	s16 =	sadd.s32 $0x4000, s6  }
0x12: {  	s10 =	simm.s32 $0x3;
	s17 =	sadd.s32 $0x8000, s6;
	[dreg:$0x7] =	wrdreg s16  }
0x13: {  	s8 =	sadd.s32 s7, s8;
	s18 =	sadd.s32 $0xC000, s6;
	[dreg:$0x8] =	wrdreg s17  }
0x14: {  	s19 =	sadd.s32 $0x10000, s6;
	s20 =	sadd.s32 $0xA00, s11;
	[dreg:$0x9] =	wrdreg s18  }
0x15: {  	s7 =	simm.s32 $0x2;
	s8 =	sshll.u32 s8, $0x5;
	[dreg:$0xa] =	wrdreg s19  }
0x16: {  	s11 =	simm.s32 $0x1FE80;
	[dreg:$0xc] =	wrdreg s20;
	s8 =	sadd.s32 $0xFFFFFE00, s8  }
0x17: {  	s19 =	simm.s32 $0x1FC00;
	s12 =	sand.u32 $0x1FFFFFE0, s8;
	s8 =	sadd.s32 s2, s8  }
0x18: {  	s20 =	simm.s32 $0x1FD00;
	s12 =	sadd.s32 s2, s12;
	s22 =	sadd.s32 $0x40, s8  }
0x19: {  	s24 =	sadd.s32 $0x60, s8;
	s26 =	sadd.s32 $0x80, s8;
	[dreg:$0x5] =	wrdreg s12  }
0x1a: {  	s2 =	sshll.u32 s25, $0x5;
	s25 =	simm.s32 $0x8;
	[dreg:$0xe] =	wrdreg s22  }
.Ltmp0:
0x1b: {  	s8 =	simm.s32 $0x1FD80;
	[dreg:$0xf] =	wrdreg s24;
	(pc) =	sbr.rel .LBB2_1-.Ltmp0, $4  }
0x1c: {  	s15 =	sadd.s32 $0x20, s12;
	s5 =	sadd.s32 $0x9C0, s12;
	[dreg:$0x10] =	wrdreg s26  }
0x1d: {  	s18 =	sadd.s32 s2, s1;
	s22 =	simm.s32 $0xA;
	s24 =	simm.s32 $0x80  }
0x1e: {  	s26 =	simm.s32 $0x17C00;
	s2 =	simm.s32 $0x9;
	[dreg:$0x6] =	wrdreg s15  }
0x1f: {  	v0 =	vimm.f32 $0.0e+00;
	s1 =	simm.s32 $0x1BC00;
	s12 =	simm.s32 $0x6;
	[dreg:$0xb] =	wrdreg s5  }
.LBB2_6:
0x20: {  	_ =	swait.ge [sflag:s12], $0x4000  }
0x21: {  	s5 =	simm.s32 @!p0 $0x0;
	[sflag:s12] =	ssyncset.done $0x0  }
0x22: {  	s9 =	simm.s32 @!p0 $0x1FC00;
	s15 =	rddreg [dreg:$0xb];
	[sflag:s12] =	ssyncadd.s32 $0xFFFFC000  }
0x23: {  	[tilespmem:s9], [sflag:$0xB] =	stream.linear.gather @!p0 [hbm4b:s15+s5], $0x100, $0x38;
	[tilespmem:$0x1FF00] =	vst v63  }
0x24: {  	s5 =	simm.s32 @!p0 $0xB  }
0x25: {  	_ =	swait.ge @!p0 [sflag:s5], $0x100  }
0x26: {  	[sflag:s5] =	ssyncset.done @!p0 $0x0  }
0x27: {  	s16 =	simm.s32 @!p0 $0x13C00;
	s15 =	simm.s32 @!p0 $0x80;
	[sflag:s5] =	ssyncadd.s32 @!p0 $0xFFFFFF00  }
0x28: {  	[tilespmem:s16], [sflag:$0x1] =	stream.indirect.gather @!p0 [hbm4b:s0+s15], $0x80, s9, s15, $0xb8;
	[tilespmem:$0x1FF00] =	vst v63  }
0x29: {  	s9 =	simm.s32 @!p0 $0x1  }
0x2a: {  	_ =	swait.ge @!p0 [sflag:s9], $0x4000  }
0x2b: {  	[sflag:s9] =	ssyncset.done @!p0 $0x0  }
0x2c: {  	[sflag:s9] =	ssyncadd.s32 @!p0 $0xFFFFC000;
	s9 =	simm.s32 @!p0 $0x1FC80  }
0x2d: {  	[spmem:s3] =	stream.indirect.scatter.add.f32 @!p0 [tilespmem:s16], [sflag:$0xB], $0x80, s9, s15, $0xb8;
	[tilespmem:$0x1FF00] =	vst v63  }
0x2e: {  	_ =	swait.ge @!p0 [sflag:s5], $0x4000  }
0x2f: {  	[sflag:s5] =	ssyncset.done @!p0 $0x0  }
0x30: {  	s9 =	stileid.u32;
	[sflag:s5] =	ssyncadd.s32 @!p0 $0xFFFFC000  }
0x31: {  	s5 =	sshll.u32 s9, $0x6;
	[bflag:$0x0] =	sbarrier.arrive $0xFFFF  }
0x32: {  	s15 =	sshrl.u32 s6, $0x3;
	s5 =	sor.u32 $0x1C0B, s5;
	s16 =	rddreg [dreg:$0xc]  }
0x33: {  	[hbm:s16], [sflag:s5] =	dma.local [spmem:s15], $0x2780  }
0x34: {  	_ =	swait.ge [sflag:s13], $0x2780  }
0x35: {  	s14 =	sadd.s32 $0x1, s14;
	s17 =	rddreg [dreg:$0xd]  }
0x36: {  	p1 =	sne.s32 s14, s17  }
.Ltmp1:
0x37: {  	_ = 	snop;
	(pc) =	sbr.rel @!p1 .LBB2_7-.Ltmp1, $3  }
0x38: {  	_ =	sdelay $0x1  }
0x39: {  	[sflag:s13] =	ssyncset.done $0x0  }
0x3a: {  	[sflag:s13] =	ssyncadd.s32 $0xFFFFD880  }
.LBB2_1:
0x3b: {  	s15 =	simm.s32 $0x0;
	s16 =	simm.s32 $0x200  }
.LBB2_2:
0x3c: {  	p1 =	sne.s32 s16, $0xFE00;
	[tilespmem:s15+$0x13C70] =	vst v0  }
0x3d: {  	[tilespmem:s15+$0x13C00] =	vst v0  }
0x3e: {  	[tilespmem:s15+$0x13C10] =	vst v0  }
.Ltmp2:
0x3f: {  	[tilespmem:s15+$0x13C20] =	vst v0;
	(pc) =	sbr.rel @p1 .LBB2_2-.Ltmp2, $4  }
0x40: {  	[tilespmem:s15+$0x13C30] =	vst v0  }
0x41: {  	[tilespmem:s15+$0x13C40] =	vst v0  }
0x42: {  	[tilespmem:s15+$0x13C50] =	vst v0  }
0x43: {  	[tilespmem:s15+$0x13C60] =	vst v0;
	s15 =	sshra.s32 s16, $0x2;
	s16 =	sadd.s32 $0x200, s16  }
0x44: {  	[tilespmem:s15+$0x13C70] =	vst v0  }
0x45: {  	[tilespmem:s15+$0x13C00] =	vst v0  }
0x46: {  	[tilespmem:s15+$0x13C10] =	vst v0  }
0x47: {  	[tilespmem:s15+$0x13C20] =	vst v0  }
0x48: {  	[tilespmem:s15+$0x13C30] =	vst v0  }
0x49: {  	[tilespmem:s15+$0x13C40] =	vst v0  }
0x4a: {  	[tilespmem:s15+$0x13C50] =	vst v0  }
0x4b: {  	[tilespmem:s15+$0x13C60] =	vst v0;
	s15 =	simm.s32 $0x0;
	s5 =	rddreg [dreg:$0x5]  }
0x4c: {  	[tilespmem:s19], [sflag:$0x7] =	stream.linear.gather [hbm4b:s5+s15], $0x100, $0x38;
	[tilespmem:$0x1FF00] =	vst v63  }
0x4d: {  	s9 =	rddreg [dreg:$0x6]  }
0x4e: {  	[tilespmem:s20], [sflag:$0x8] =	stream.linear.gather [hbm4b:s9+s15], $0x100, $0x38;
	[tilespmem:$0x1FF00] =	vst v63  }
0x4f: {  	_ = 	snop  }
0x50: {  	[spmem:s6] =	stream.linear.scatter [tilespmem:s21], [sflag:$0xA], $0x4000, $0x38;
	[tilespmem:$0x1FF00] =	vst v63  }
0x51: {  	s16 =	rddreg [dreg:$0x7]  }
0x52: {  	[spmem:s16] =	stream.linear.scatter [tilespmem:s21], [sflag:$0xA], $0x4000, $0x38;
	[tilespmem:$0x1FF00] =	vst v63  }
0x53: {  	s17 =	rddreg [dreg:$0x8]  }
0x54: {  	[spmem:s17] =	stream.linear.scatter [tilespmem:s21], [sflag:$0xA], $0x4000, $0x38;
	[tilespmem:$0x1FF00] =	vst v63  }
0x55: {  	s9 =	rddreg [dreg:$0x9]  }
0x56: {  	[spmem:s9] =	stream.linear.scatter [tilespmem:s21], [sflag:$0xA], $0x4000, $0x38;
	[tilespmem:$0x1FF00] =	vst v63  }
0x57: {  	s16 =	rddreg [dreg:$0xa]  }
0x58: {  	[spmem:s16] =	stream.linear.scatter [tilespmem:s21], [sflag:$0xA], $0x3C00, $0x38;
	[tilespmem:$0x1FF00] =	vst v63  }
0x59: {  	_ =	swait.ge [sflag:s22], $0x4000  }
0x5a: {  	[sflag:s22] =	ssyncset.done $0x0  }
0x5b: {  	[sflag:s22] =	ssyncadd.s32 $0xFFFFC000  }
0x5c: {  	_ =	swait.ge [sflag:s22], $0x4000  }
0x5d: {  	[sflag:s22] =	ssyncset.done $0x0  }
0x5e: {  	[sflag:s22] =	ssyncadd.s32 $0xFFFFC000  }
0x5f: {  	_ =	swait.ge [sflag:s22], $0x4000  }
0x60: {  	[sflag:s22] =	ssyncset.done $0x0  }
0x61: {  	[sflag:s22] =	ssyncadd.s32 $0xFFFFC000  }
0x62: {  	_ =	swait.ge [sflag:s22], $0x4000  }
0x63: {  	[sflag:s22] =	ssyncset.done $0x0  }
0x64: {  	[sflag:s22] =	ssyncadd.s32 $0xFFFFC000  }
0x65: {  	_ =	swait.ge [sflag:s22], $0x3C00  }
0x66: {  	[sflag:s22] =	ssyncset.done $0x0  }
0x67: {  	[sflag:s22] =	ssyncadd.s32 $0xFFFFC400  }
0x68: {  	[bflag:$0x0] =	sbarrier.arrive $0xFFFF  }
0x69: {  	_ =	swait.ge [sflag:s23], $0x100  }
0x6a: {  	[sflag:s23] =	ssyncset.done $0x0  }
0x6b: {  	[sflag:s23] =	ssyncadd.s32 $0xFFFFFF00  }
0x6c: {  	[tilespmem:s21], [sflag:$0x1] =	stream.indirect.gather [hbm4b:s0+s24], $0x80, s19, s24, $0xb8;
	[tilespmem:$0x1FF00] =	vst v63  }
0x6d: {  	_ =	swait.ge [sflag:s25], $0x100  }
0x6e: {  	[sflag:s25] =	ssyncset.done $0x0  }
0x6f: {  	[sflag:s25] =	ssyncadd.s32 $0xFFFFFF00  }
0x70: {  	[tilespmem:s26], [sflag:$0x2] =	stream.indirect.gather [hbm4b:s0+s24], $0x80, s20, s24, $0xb8;
	[tilespmem:$0x1FF00] =	vst v63  }
0x71: {  	_ =	swait.ge [sflag:s28], $0x4000  }
0x72: {  	[sflag:s28] =	ssyncset.done $0x0  }
0x73: {  	[sflag:s28] =	ssyncadd.s32 $0xFFFFC000  }
0x74: {  	[spmem:s3] =	stream.indirect.scatter.add.f32 [tilespmem:s21], [sflag:$0x4], $0x80, s29, s24, $0xb8;
	[tilespmem:$0x1FF00] =	vst v63  }
0x75: {  	s17 =	rddreg [dreg:$0xe]  }
0x76: {  	[tilespmem:s30], [sflag:$0x9] =	stream.linear.gather [hbm4b:s17+s15], $0x100, $0x38;
	[tilespmem:$0x1FF00] =	vst v63  }
0x77: {  	_ =	swait.ge [sflag:s31], $0x4000  }
0x78: {  	[sflag:s31] =	ssyncset.done $0x0  }
0x79: {  	[sflag:s31] =	ssyncadd.s32 $0xFFFFC000  }
0x7a: {  	_ =	swait.ge [sflag:s2], $0x100  }
0x7b: {  	[sflag:s2] =	ssyncset.done $0x0  }
0x7c: {  	[sflag:s2] =	ssyncadd.s32 $0xFFFFFF00  }
0x7d: {  	[tilespmem:s1], [sflag:$0x3] =	stream.indirect.gather [hbm4b:s0+s24], $0x80, s30, s24, $0xb8;
	[tilespmem:$0x1FF00] =	vst v63  }
0x7e: {  	_ =	swait.ge [sflag:s7], $0x4000  }
0x7f: {  	[sflag:s7] =	ssyncset.done $0x0  }
0x80: {  	[sflag:s7] =	ssyncadd.s32 $0xFFFFC000  }
0x81: {  	[spmem:s3] =	stream.indirect.scatter.add.f32 [tilespmem:s26], [sflag:$0x5], $0x80, s8, s24, $0xb8;
	[tilespmem:$0x1FF00] =	vst v63  }
0x82: {  	s16 =	simm.s32 $0x5;
	s9 =	rddreg [dreg:$0xf]  }
0x83: {  	[tilespmem:s19], [sflag:$0x7] =	stream.linear.gather [hbm4b:s9+s15], $0x100, $0x38;
	[tilespmem:$0x1FF00] =	vst v63  }
0x84: {  	_ =	swait.ge [sflag:s16], $0x4000  }
0x85: {  	[sflag:s16] =	ssyncset.done $0x0  }
0x86: {  	[sflag:s16] =	ssyncadd.s32 $0xFFFFC000  }
0x87: {  	_ =	swait.ge [sflag:s23], $0x100  }
0x88: {  	[sflag:s23] =	ssyncset.done $0x0  }
0x89: {  	[sflag:s23] =	ssyncadd.s32 $0xFFFFFF00  }
0x8a: {  	[tilespmem:s21], [sflag:$0x1] =	stream.indirect.gather [hbm4b:s0+s24], $0x80, s19, s24, $0xb8;
	[tilespmem:$0x1FF00] =	vst v63  }
0x8b: {  	_ =	swait.ge [sflag:s10], $0x4000  }
0x8c: {  	[sflag:s10] =	ssyncset.done $0x0  }
0x8d: {  	[sflag:s10] =	ssyncadd.s32 $0xFFFFC000  }
0x8e: {  	[spmem:s3] =	stream.indirect.scatter.add.f32 [tilespmem:s1], [sflag:$0x6], $0x80, s11, s24, $0xb8;
	[tilespmem:$0x1FF00] =	vst v63  }
0x8f: {  	s17 =	rddreg [dreg:$0x10]  }
0x90: {  	[tilespmem:s20], [sflag:$0x8] =	stream.linear.gather [hbm4b:s17+s15], $0x100, $0x38;
	[tilespmem:$0x1FF00] =	vst v63  }
.LBB2_4:
0x91: {  	_ =	swait.ge [sflag:s12], $0x4000  }
0x92: {  	[sflag:s12] =	ssyncset.done $0x0  }
0x93: {  	[sflag:s12] =	ssyncadd.s32 $0xFFFFC000  }
0x94: {  	_ =	swait.ge [sflag:s25], $0x100  }
0x95: {  	[sflag:s25] =	ssyncset.done $0x0  }
0x96: {  	[sflag:s25] =	ssyncadd.s32 $0xFFFFFF00  }
0x97: {  	[tilespmem:s26], [sflag:$0x2] =	stream.indirect.gather [hbm4b:s0+s24], $0x80, s20, s24, $0xb8;
	[tilespmem:$0x1FF00] =	vst v63  }
0x98: {  	_ =	swait.ge [sflag:s28], $0x4000  }
0x99: {  	[sflag:s28] =	ssyncset.done $0x0  }
0x9a: {  	s16 =	sadd.s32 s15, s18;
	[sflag:s28] =	ssyncadd.s32 $0xFFFFC000  }
0x9b: {  	[spmem:s3] =	stream.indirect.scatter.add.f32 [tilespmem:s21], [sflag:$0x4], $0x80, s29, s24, $0xb8;
	[tilespmem:$0x1FF00] =	vst v63  }
0x9c: {  	s5 =	sadd.s32 $0xFFFFFEA0, s16  }
0x9d: {  	[tilespmem:s30], [sflag:$0x9] =	stream.linear.gather [hbm4b:s5+s4], $0x100, $0x38;
	[tilespmem:$0x1FF00] =	vst v63  }
0x9e: {  	_ =	swait.ge [sflag:s31], $0x4000  }
0x9f: {  	[sflag:s31] =	ssyncset.done $0x0  }
0xa0: {  	[sflag:s31] =	ssyncadd.s32 $0xFFFFC000  }
0xa1: {  	_ =	swait.ge [sflag:s2], $0x100  }
0xa2: {  	[sflag:s2] =	ssyncset.done $0x0  }
0xa3: {  	[sflag:s2] =	ssyncadd.s32 $0xFFFFFF00  }
0xa4: {  	[tilespmem:s1], [sflag:$0x3] =	stream.indirect.gather [hbm4b:s0+s24], $0x80, s30, s24, $0xb8;
	[tilespmem:$0x1FF00] =	vst v63  }
0xa5: {  	_ =	swait.ge [sflag:s7], $0x4000  }
0xa6: {  	p1 =	sne.s32 s15, $0x900;
	[sflag:s7] =	ssyncset.done $0x0  }
0xa7: {  	s5 =	sadd.s32 @p1 s15, s18;
	[sflag:s7] =	ssyncadd.s32 $0xFFFFC000  }
0xa8: {  	[spmem:s3] =	stream.indirect.scatter.add.f32 [tilespmem:s26], [sflag:$0x5], $0x80, s8, s24, $0xb8;
	[tilespmem:$0x1FF00] =	vst v63  }
0xa9: {  	s17 =	simm.s32 @p1 $0x0;
	s9 =	simm.s32 @p1 $0x1FC00;
	s5 =	sadd.s32 @p1 $0xFFFFFEC0, s5  }
0xaa: {  	[tilespmem:s9], [sflag:$0x7] =	stream.linear.gather @p1 [hbm4b:s5+s17], $0x100, $0x38;
	[tilespmem:$0x1FF00] =	vst v63  }
0xab: {  	s5 =	simm.s32 @p1 $0x5  }
0xac: {  	_ =	swait.ge @p1 [sflag:s5], $0x4000  }
0xad: {  	[sflag:s5] =	ssyncset.done @p1 $0x0  }
0xae: {  	[sflag:s5] =	ssyncadd.s32 @p1 $0xFFFFC000;
	s5 =	simm.s32 @p1 $0x7  }
0xaf: {  	_ =	swait.ge @p1 [sflag:s5], $0x100  }
0xb0: {  	[sflag:s5] =	ssyncset.done @p1 $0x0  }
0xb1: {  	s17 =	simm.s32 @p1 $0x13C00;
	[sflag:s5] =	ssyncadd.s32 @p1 $0xFFFFFF00;
	s5 =	simm.s32 @p1 $0x80  }
0xb2: {  	[tilespmem:s17], [sflag:$0x1] =	stream.indirect.gather @p1 [hbm4b:s0+s5], $0x80, s9, s5, $0xb8;
	[tilespmem:$0x1FF00] =	vst v63  }
0xb3: {  	s5 =	simm.s32 @!p1 $0x5  }
0xb4: {  	_ =	swait.ge @!p1 [sflag:s5], $0x4000  }
0xb5: {  	[sflag:s5] =	ssyncset.done @!p1 $0x0  }
0xb6: {  	[sflag:s5] =	ssyncadd.s32 @!p1 $0xFFFFC000;
	p1 =	seq.s32 s15, $0x900  }
.Ltmp3:
0xb7: {  	_ = 	snop;
	(pc) =	sbr.rel @p1 .LBB2_6-.Ltmp3, $4  }
0xb8: {  	_ =	swait.ge [sflag:s10], $0x4000  }
0xb9: {  	[sflag:s10] =	ssyncset.done $0x0  }
0xba: {  	[sflag:s10] =	ssyncadd.s32 $0xFFFFC000  }
0xbb: {  	[spmem:s3] =	stream.indirect.scatter.add.f32 [tilespmem:s1], [sflag:$0x6], $0x80, s11, s24, $0xb8;
	[tilespmem:$0x1FF00] =	vst v63  }
.Ltmp4:
0xbc: {  	(pc) =	sbr.rel .LBB2_4-.Ltmp4, $3  }
0xbd: {  	_ =	sdelay $0x1  }
0xbe: {  	s5 =	sadd.s32 $0xFFFFFEE0, s16;
	s15 =	sadd.s32 $0x60, s15  }
0xbf: {  	[tilespmem:s20], [sflag:$0x8] =	stream.linear.gather [hbm4b:s5+s4], $0x100, $0x38;
	[tilespmem:$0x1FF00] =	vst v63  }
.LBB2_7:
0xc0: {  	_ =	sfence.sel $0x180000  }
0xc1: {  	[bflag:$0x0] =	sbarrier.arrive $0xFFFF  }
0xc2: {  	_ =	strace $0x90000047  }
0xc3: {  	s0 =	stileid.u32;
	[bflag:$0x2] =	sbarrier.arrive $0xFFFF  }
0xc4: {  	p0 =	sne.s32 s0, $0x0;
	s0 =	rddreg [dreg:$0x4]  }
0xc5: {  	s0 =	sadd.s32 @!p0 $0x100000, s0  }
0xc6: {  	[sflag:s0] =	ssyncadd.tile.s32 @!p0 $0x1;
	_ =	shalt  }
.Lfunc_end2:
_tile_overlayer_lowered:
.L_overlay_start_2:
0xc7: {  	(tag) =	ssettag $0x2  }
0xc8: {  	s0 =	rddreg [dreg:$0x0];
	s2 =	stileid.u32  }
0xc9: {  	s1 =	rddreg [dreg:$0x1];
	p0 =	sne.s32 s2, $0x0  }
0xca: {  	s3 =	rddreg [dreg:$0x2];
	[bflag:$0x3] =	sbarrier.arrive $0xFFFF;
	s2 =	simm.s32 @!p0 $0x1C0B  }
0xcb: {  	[timem:s3], [sflag:s2] =	dma.local @!p0 [hbm:s0], s1  }
0xcc: {  	s0 =	simm.s32 @!p0 $0xB  }
0xcd: {  	_ =	swait.ge @!p0 [sflag:s0], s1  }
0xce: {  	s1 =	ssub.s32 @!p0 $0x0, s1;
	[sflag:s0] =	ssyncset.done @!p0 $0x0  }
0xcf: {  	[sflag:s0] =	ssyncadd.s32 @!p0 s1  }
0xd0: {  	[bflag:$0x3] =	sbarrier.arrive $0xFFFF  }
0xd1: {  	_ =	shalt  }

</sc_bundles>
